<compile_context>
chip_gen: v7x
topology: tpu7x:2x2x1
jax: 0.10.2.dev20260603
libtpu: 0.0.44.dev20260713+nightly
codegen_flags: <defaults>
</compile_context>

<pallas_src>
import dataclasses

import jax
import jax.numpy as jnp
from jax import lax
from jax.experimental import pallas as pl
from jax.experimental.pallas import tpu as pltpu
from jax.experimental.pallas import tpu_sc as plsc

N = 10000
E = 320000
D = 128
NC = 2
NS = 16
NW = NC * NS
CH = 128
KCH = 79
EPAD = NW * KCH * CH
ACC_ROWS = 10240
RPS = ACC_ROWS // NS

_vec_mesh = plsc.VectorSubcoreMesh(core_axis_name="c", subcore_axis_name="s")

_sc_params = pltpu.CompilerParams()
if "needs_layout_passes" in pltpu.CompilerParams.__dataclass_fields__:
    _sc_params = dataclasses.replace(_sc_params, needs_layout_passes=False)


def _hist_body(dst_hbm, out_hbm, dst_v, hist_v):
    cid = lax.axis_index("c")
    sid = lax.axis_index("s")
    wid = sid * NC + cid
    pltpu.sync_copy(dst_hbm.at[wid], dst_v)
    zero16 = jnp.zeros((16,), jnp.float32)
    ones16 = jnp.ones((16,), jnp.float32)

    @pl.loop(0, ACC_ROWS // 16)
    def _zero(r):
        hist_v[r, :] = zero16

    @pl.loop(0, KCH)
    def _chunk(j):
        @pl.loop(0, CH // 16)
        def _grp(c):
            idx = dst_v[j, pl.ds(c * 16, 16)]
            row = lax.shift_right_logical(idx, 4)
            col = lax.bitwise_and(idx, 15)
            plsc.addupdate_scatter(hist_v, [row, col], ones16)

    pltpu.sync_copy(hist_v, out_hbm.at[wid])


def _sc_hist(dst3):
    k = pl.kernel(
        _hist_body,
        out_type=jax.ShapeDtypeStruct((NW, ACC_ROWS // 16, 16), jnp.float32),
        mesh=_vec_mesh,
        scratch_types=[
            pltpu.VMEM((KCH, CH), jnp.int32),
            pltpu.VMEM((ACC_ROWS // 16, 16), jnp.float32),
        ],
        compiler_params=_sc_params,
    )
    return k(dst3)


def _agg_body(g_hbm, src_hbm, dst_hbm, out_hbm, src_v, dst_v, buf, acc_sh):
    cid = lax.axis_index("c")
    sid = lax.axis_index("s")
    wid = sid * NC + cid
    zero16 = jnp.zeros((16,), jnp.float32)

    @pl.loop(0, CH)
    def _zr(r):
        @pl.loop(0, D // 16)
        def _zc(c):
            buf[r, pl.ds(c * 16, 16)] = zero16

    @pl.loop(0, RPS // CH)
    def _zacc(k):
        pltpu.sync_copy(buf, acc_sh.at[pl.ds(sid * RPS + k * CH, CH)])

    pltpu.sync_copy(src_hbm.at[wid], src_v)
    pltpu.sync_copy(dst_hbm.at[wid], dst_v)
    plsc.subcore_barrier()

    @pl.loop(0, KCH)
    def _edge_chunk(j):
        pltpu.sync_copy(g_hbm.at[src_v.at[j]], buf)
        pltpu.sync_copy(buf, acc_sh.at[dst_v.at[j]], add=True)

    plsc.subcore_barrier()
    pltpu.sync_copy(
        acc_sh.at[pl.ds(sid * RPS, RPS)],
        out_hbm.at[cid].at[pl.ds(sid * RPS, RPS)],
    )


def _sc_aggregate(g, src3, dst3):
    k = pl.kernel(
        _agg_body,
        out_type=jax.ShapeDtypeStruct((NC, ACC_ROWS, D), jnp.float32),
        mesh=_vec_mesh,
        scratch_types=[
            pltpu.VMEM((KCH, CH), jnp.int32),
            pltpu.VMEM((KCH, CH), jnp.int32),
            pltpu.VMEM((CH, D), jnp.float32),
            pltpu.VMEM_SHARED((ACC_ROWS, D), jnp.float32),
        ],
        compiler_params=_sc_params,
    )
    return k(g, src3, dst3)


_RB = 2000


def _dinv_body(h_ref, o_ref):
    deg = jnp.sum(h_ref[...], axis=0) + 1.0
    o_ref[...] = 1.0 / jnp.sqrt(deg)


def _tc_dinv(hist4):
    return pl.pallas_call(
        _dinv_body,
        out_shape=jax.ShapeDtypeStruct((ACC_ROWS // D, D), jnp.float32),
    )(hist4)


def _mm_scale_body(x_ref, w_ref, dinv_ref, o_ref):
    h = lax.dot_general(
        x_ref[...], w_ref[...], (((1,), (0,)), ((), ())),
        precision=lax.Precision.HIGHEST,
    )
    o_ref[...] = h * dinv_ref[...]


def _tc_mm_scale(x, W, dinv):
    full = pl.BlockSpec((_RB, D), lambda i: (i, 0))
    col = pl.BlockSpec((_RB, 1), lambda i: (i, 0))
    return pl.pallas_call(
        _mm_scale_body,
        grid=(N // _RB,),
        in_specs=[full, pl.BlockSpec((D, D), lambda i: (0, 0)), col],
        out_specs=full,
        out_shape=jax.ShapeDtypeStruct((N, D), jnp.float32),
    )(x, W, dinv)


def _layer2_body(p0_ref, p1_ref, g1_ref, dinv_ref, b1_ref, w2_ref, o_ref):
    u = (p0_ref[...] + p1_ref[...] + g1_ref[...]) * dinv_ref[...] + b1_ref[...]
    h = jnp.maximum(u, 0.0)
    o_ref[...] = lax.dot_general(
        h, w2_ref[...], (((1,), (0,)), ((), ())),
        precision=lax.Precision.HIGHEST,
    ) * dinv_ref[...]


def _tc_layer2(p0, p1, g1, dinv, b1r, W2):
    full = pl.BlockSpec((_RB, D), lambda i: (i, 0))
    col = pl.BlockSpec((_RB, 1), lambda i: (i, 0))
    return pl.pallas_call(
        _layer2_body,
        grid=(N // _RB,),
        in_specs=[full, full, full, col,
                  pl.BlockSpec((1, D), lambda i: (0, 0)),
                  pl.BlockSpec((D, D), lambda i: (0, 0))],
        out_specs=full,
        out_shape=jax.ShapeDtypeStruct((N, D), jnp.float32),
    )(p0, p1, g1, dinv, b1r, W2)


def _final_body(q0_ref, q1_ref, g2_ref, dinv_ref, b2_ref, o_ref):
    o_ref[...] = (
        (q0_ref[...] + q1_ref[...] + g2_ref[...]) * dinv_ref[...] + b2_ref[...]
    )


def _tc_final(q0, q1, g2, dinv, b2r):
    full = pl.BlockSpec((_RB, D), lambda i: (i, 0))
    col = pl.BlockSpec((_RB, 1), lambda i: (i, 0))
    return pl.pallas_call(
        _final_body,
        grid=(N // _RB,),
        in_specs=[full, full, full, col,
                  pl.BlockSpec((1, D), lambda i: (0, 0))],
        out_specs=full,
        out_shape=jax.ShapeDtypeStruct((N, D), jnp.float32),
    )(q0, q1, g2, dinv, b2r)


def kernel(x, edge_index, W1, b1, W2, b2):
    ei = edge_index.astype(jnp.int32)
    pad = EPAD - E
    src = jnp.concatenate([ei[0], jnp.zeros((pad,), jnp.int32)])
    dump = N + (jnp.arange(pad, dtype=jnp.int32) % (ACC_ROWS - N))
    dst = jnp.concatenate([ei[1], dump])
    src3 = src.reshape(NW, KCH, CH)
    dst3 = dst.reshape(NW, KCH, CH)

    hist = _sc_hist(dst3)
    hist4 = hist.reshape(NW, ACC_ROWS // D, D)
    dinv = _tc_dinv(hist4).reshape(ACC_ROWS, 1)[:N]

    g1 = _tc_mm_scale(x, W1, dinv)
    p = _sc_aggregate(g1, src3, dst3)
    g2 = _tc_layer2(p[0, :N], p[1, :N], g1, dinv, b1.reshape(1, D), W2)
    q = _sc_aggregate(g2, src3, dst3)
    return _tc_final(q[0, :N], q[1, :N], g2, dinv, b2.reshape(1, D))

# --- scband reference (transcript-rebuilt; emitter-appended) ---
"""Pipeline reference for scband-gcn-20495583937193 (READ-ONLY COPY).

The authoritative reference and input builder live on the scoring server;
editing this copy changes nothing except your own understanding.
"""

import jax, jax.numpy as jnp
import numpy as np

N_NODES = 10000
N_EDGES = 320000
D_IN = 128
D_HID = 128


def setup_inputs(seed: int = 0) -> dict:
    key = jax.random.key(seed)
    k1, k2, k3, k4, k5, k6 = jax.random.split(key, 6)
    x = jax.random.normal(k1, (N_NODES, D_IN), dtype=jnp.float32)
    edge_index = jax.random.randint(k2, (2, N_EDGES), 0, N_NODES, dtype=jnp.int64)
    # Glorot-style init for the two GCNConv layers
    s1 = float(np.sqrt(6.0 / (D_IN + D_HID)))
    s2 = float(np.sqrt(6.0 / (D_HID + D_HID)))
    W1 = jax.random.uniform(k3, (D_IN, D_HID), dtype=jnp.float32, minval=-s1, maxval=s1)
    b1 = jnp.zeros((D_HID,), dtype=jnp.float32)
    W2 = jax.random.uniform(k4, (D_HID, D_HID), dtype=jnpp_dummy) if False else jax.random.uniform(k4, (D_HID, D_HID), dtype=jnp.float32, minval=-s2, maxval=s2)
    b2 = jnp.zeros((D_HID,), dtype=jnp.float32)
    return {"x": x, "edge_index": edge_index, "W1": W1, "b1": b1, "W2": W2, "b2": b2}


def _gcn_conv(x, src, dst, W, b):
    # PyG GCNConv: add self-loops, symmetric D^{-1/2}(A+I)D^{-1/2} normalization
    n = x.shape[0]
    loop = jnp.arange(n, dtype=src.dtype)
    s = jnp.concatenate([src, loop])
    d = jnp.concatenate([dst, loop])
    deg = jnp.zeros((n,), dtype=x.dtype).at[d].add(1.0)
    dinv = jnp.where(deg > 0, 1.0 / jnp.sqrt(deg), 0.0)
    norm = dinv[s] * dinv[d]
    h = x @ W
    msg = h[s] * norm[:, None]
    out = jnp.zeros((n, W.shape[1]), dtype=x.dtype).at[d].add(msg)
    return out + b


def reference(x, edge_index, W1, b1, W2, b2):
    src = edge_index[0]
    dst = edge_index[1]
    h = _gcn_conv(x, src, dst, W1, b1)
    h = jax.nn.relu(h)
    out = _gcn_conv(h, src, dst, W2, b2)
    return out

if __name__ == "__main__":
    import jax
    _d = setup_inputs()
    print(jax.jit(kernel)(*tuple(_d.values())))

</pallas_src>

<mosaic_0001>
#map = affine_map<(d0, d1) -> (0, 0, 0)>
module attributes {stable_mosaic.version = 14 : i64} {
  func.func @_hist_body(%arg0: i32, %arg1: i32, %arg2: memref<32x79x128xi32, #tpu.memory_space<hbm>>, %arg3: memref<32x640x16xf32, #tpu.memory_space<hbm>>, %arg4: memref<79x128xi32, #tpu.memory_space<vmem>>, %arg5: memref<640x16xf32, #tpu.memory_space<vmem>>) attributes {dimension_semantics = [#tpu.dimension_semantics<core_parallel>, #tpu.dimension_semantics<subcore_parallel>], iteration_bounds = array<i64: 2, 16>, scalar_prefetch = 0 : i64, scratch_operands = 2 : i64, tpu.core_type = #tpu.core_type<sc_vector_subcore>, window_params = [{transform_indices = #map}, {transform_indices = #map}]} {
    %mul3A = arith.constant 2 : i32
    %mul3A_0 = arith.muli %arg1, %mul3A : i32
    %add3A = arith.addi %mul3A_0, %arg0 : i32
    "tpu.region"() ({
      %run_scoped3A = tpu.sem_alloc : memref<!tpu.dma_semaphore, #tpu.memory_space<semaphore_mem>>
      %dma_start3A = arith.constant 0 : i32
      %dma_start3A_13 = arith.constant 0 : i32
      %dma_start3A_14 = tpu.memref_slice %arg2[%add3A, %dma_start3A, %dma_start3A_13] : memref<32x79x128xi32, #tpu.memory_space<hbm>> -> memref<1x79x128xi32, #tpu.memory_space<hbm>>
      %dma_start3A_15 = tpu.memref_squeeze %dma_start3A_14 : memref<1x79x128xi32, #tpu.memory_space<hbm>> -> memref<79x128xi32, #tpu.memory_space<hbm>>
      %dma_start3A_16 = arith.constant 0 : i32
      %dma_start3A_17 = arith.constant 0 : i32
      %dma_start3A_18 = tpu.memref_slice %arg2[%add3A, %dma_start3A_16, %dma_start3A_17] : memref<32x79x128xi32, #tpu.memory_space<hbm>> -> memref<1x79x128xi32, #tpu.memory_space<hbm>>
      %dma_start3A_19 = tpu.memref_squeeze %dma_start3A_18 : memref<1x79x128xi32, #tpu.memory_space<hbm>> -> memref<79x128xi32, #tpu.memory_space<hbm>>
      tpu.enqueue_dma source(%dma_start3A_19 : memref<79x128xi32, #tpu.memory_space<hbm>>) target(%arg4 : memref<79x128xi32, #tpu.memory_space<vmem>>) target_semaphore(%run_scoped3A : memref<!tpu.dma_semaphore, #tpu.memory_space<semaphore_mem>>)
      %dma_wait3A = arith.constant 0 : i32
      %dma_wait3A_20 = arith.constant 0 : i32
      %dma_wait3A_21 = tpu.memref_slice %arg2[%add3A, %dma_wait3A, %dma_wait3A_20] : memref<32x79x128xi32, #tpu.memory_space<hbm>> -> memref<1x79x128xi32, #tpu.memory_space<hbm>>
      %dma_wait3A_22 = tpu.memref_squeeze %dma_wait3A_21 : memref<1x79x128xi32, #tpu.memory_space<hbm>> -> memref<79x128xi32, #tpu.memory_space<hbm>>
      %dma_wait3A_23 = arith.constant 0 : i32
      %dma_wait3A_24 = arith.constant 0 : i32
      %dma_wait3A_25 = tpu.memref_slice %arg2[%add3A, %dma_wait3A_23, %dma_wait3A_24] : memref<32x79x128xi32, #tpu.memory_space<hbm>> -> memref<1x79x128xi32, #tpu.memory_space<hbm>>
      %dma_wait3A_26 = tpu.memref_squeeze %dma_wait3A_25 : memref<1x79x128xi32, #tpu.memory_space<hbm>> -> memref<79x128xi32, #tpu.memory_space<hbm>>
      tpu.wait_dma2 semaphore(%run_scoped3A : memref<!tpu.dma_semaphore, #tpu.memory_space<semaphore_mem>>) src(%dma_wait3A_26 : memref<79x128xi32, #tpu.memory_space<hbm>>) dst(%arg4 : memref<79x128xi32, #tpu.memory_space<vmem>>)
      tpu.yield
    }) : () -> ()
    %broadcast_in_dim3A = arith.constant 0.000000e+00 : f32
    %broadcast_in_dim3A_1 = vector.broadcast %broadcast_in_dim3A : f32 to vector<16xf32>
    %broadcast_in_dim3A_2 = arith.constant 1.000000e+00 : f32
    %broadcast_in_dim3A_3 = vector.broadcast %broadcast_in_dim3A_2 : f32 to vector<16xf32>
    %scan3A = arith.constant 0 : i32
    %scan3A_4 = arith.constant 640 : i32
    %scan3A_5 = arith.addi %scan3A, %scan3A_4 : i32
    %scan3A_6 = arith.constant 1 : i32
    scf.for %scan3A_13 = %scan3A to %scan3A_5 step %scan3A_6  : i32 {
      %mul3A_14 = arith.constant 1 : i32
      %mul3A_15 = arith.muli %scan3A_13, %mul3A_14 : i32
      %add3A_16 = arith.constant 0 : i32
      %add3A_17 = arith.addi %add3A_16, %mul3A_15 : i32
      %swap3A = arith.index_cast %add3A_17 : i32 to index
      %swap3A_18 = arith.constant 0 : index
      %swap3A_19 = tpu.vector_load %arg5[%swap3A, %swap3A_18] {strides = array<i32>} : memref<640x16xf32, #tpu.memory_space<vmem>>, vector<16xf32>,
      tpu.vector_store %arg5[%swap3A, %swap3A_18], %broadcast_in_dim3A_1 {strides = array<i32>} : memref<640x16xf32, #tpu.memory_space<vmem>>, vector<16xf32>,
    }
    %scan3A_7 = arith.constant 640 : i32
    %scan3A_8 = arith.constant 0 : i32
    %scan3A_9 = arith.constant 79 : i32
    %scan3A_10 = arith.addi %scan3A_8, %scan3A_9 : i32
    %scan3A_11 = arith.constant 1 : i32
    scf.for %scan3A_13 = %scan3A_8 to %scan3A_10 step %scan3A_11  : i32 {
      %mul3A_14 = arith.constant 1 : i32
      %mul3A_15 = arith.muli %scan3A_13, %mul3A_14 : i32
      %add3A_16 = arith.constant 0 : i32
      %add3A_17 = arith.addi %add3A_16, %mul3A_15 : i32
      %scan3A_18 = arith.constant 0 : i32
      %scan3A_19 = arith.constant 8 : i32
      %scan3A_20 = arith.addi %scan3A_18, %scan3A_19 : i32
      %scan3A_21 = arith.constant 1 : i32
      scf.for %scan3A_23 = %scan3A_18 to %scan3A_20 step %scan3A_21  : i32 {
        %mul3A_24 = arith.constant 1 : i32
        %mul3A_25 = arith.muli %scan3A_23, %mul3A_24 : i32
        %add3A_26 = arith.constant 0 : i32
        %add3A_27 = arith.addi %add3A_26, %mul3A_25 : i32
        %mul3A_28 = arith.constant 16 : i32
        %mul3A_29 = arith.muli %add3A_27, %mul3A_28 : i32
        %get3A = arith.index_cast %add3A_17 : i32 to index
        %get3A_30 = arith.index_cast %mul3A_29 : i32 to index
        %get3A_31 = tpu.vector_load %arg4[%get3A, %get3A_30] {strides = array<i32>} : memref<79x128xi32, #tpu.memory_space<vmem>>, vector<16xi32>,
        %shift_right_logical3A = arith.constant 4 : i32
        %shift_right_logical3A_32 = vector.broadcast %shift_right_logical3A : i32 to vector<16xi32>
        %shift_right_logical3A_33 = arith.shrui %get3A_31, %shift_right_logical3A_32 : vector<16xi32>
        %and3A = arith.constant 15 : i32
        %and3A_34 = vector.broadcast %and3A : i32 to vector<16xi32>
        %and3A_35 = arith.andi %get3A_31, %and3A_34 : vector<16xi32>
        tpu.vector_store_idx %arg5[%shift_right_logical3A_33, %and3A_35], %broadcast_in_dim3A_3 {add = true} : memref<640x16xf32, #tpu.memory_space<vmem>>[vector<16xi32>, vector<16xi32>], vector<16xf32>,
      }
      %scan3A_22 = arith.constant 8 : i32
    }
    %scan3A_12 = arith.constant 79 : i32
    "tpu.region"() ({
      %run_scoped3A = tpu.sem_alloc : memref<!tpu.dma_semaphore, #tpu.memory_space<semaphore_mem>>
      %dma_start3A = arith.constant 0 : i32
      %dma_start3A_13 = arith.constant 0 : i32
      %dma_start3A_14 = tpu.memref_slice %arg3[%add3A, %dma_start3A, %dma_start3A_13] : memref<32x640x16xf32, #tpu.memory_space<hbm>> -> memref<1x640x16xf32, #tpu.memory_space<hbm>>
      %dma_start3A_15 = tpu.memref_squeeze %dma_start3A_14 : memref<1x640x16xf32, #tpu.memory_space<hbm>> -> memref<640x16xf32, #tpu.memory_space<hbm>>
      %dma_start3A_16 = arith.constant 0 : i32
      %dma_start3A_17 = arith.constant 0 : i32
      %dma_start3A_18 = tpu.memref_slice %arg3[%add3A, %dma_start3A_16, %dma_start3A_17] : memref<32x640x16xf32, #tpu.memory_space<hbm>> -> memref<1x640x16xf32, #tpu.memory_space<hbm>>
      %dma_start3A_19 = tpu.memref_squeeze %dma_start3A_18 : memref<1x640x16xf32, #tpu.memory_space<hbm>> -> memref<640x16xf32, #tpu.memory_space<hbm>>
      tpu.enqueue_dma source(%arg5 : memref<640x16xf32, #tpu.memory_space<vmem>>) target(%dma_start3A_19 : memref<640x16xf32, #tpu.memory_space<hbm>>) target_semaphore(%run_scoped3A : memref<!tpu.dma_semaphore, #tpu.memory_space<semaphore_mem>>)
      %dma_wait3A = arith.constant 0 : i32
      %dma_wait3A_20 = arith.constant 0 : i32
      %dma_wait3A_21 = tpu.memref_slice %arg3[%add3A, %dma_wait3A, %dma_wait3A_20] : memref<32x640x16xf32, #tpu.memory_space<hbm>> -> memref<1x640x16xf32, #tpu.memory_space<hbm>>
      %dma_wait3A_22 = tpu.memref_squeeze %dma_wait3A_21 : memref<1x640x16xf32, #tpu.memory_space<hbm>> -> memref<640x16xf32, #tpu.memory_space<hbm>>
      %dma_wait3A_23 = arith.constant 0 : i32
      %dma_wait3A_24 = arith.constant 0 : i32
      %dma_wait3A_25 = tpu.memref_slice %arg3[%add3A, %dma_wait3A_23, %dma_wait3A_24] : memref<32x640x16xf32, #tpu.memory_space<hbm>> -> memref<1x640x16xf32, #tpu.memory_space<hbm>>
      %dma_wait3A_26 = tpu.memref_squeeze %dma_wait3A_25 : memref<1x640x16xf32, #tpu.memory_space<hbm>> -> memref<640x16xf32, #tpu.memory_space<hbm>>
      tpu.wait_dma2 semaphore(%run_scoped3A : memref<!tpu.dma_semaphore, #tpu.memory_space<semaphore_mem>>) src(%arg5 : memref<640x16xf32, #tpu.memory_space<vmem>>) dst(%dma_wait3A_26 : memref<640x16xf32, #tpu.memory_space<hbm>>)
      tpu.yield
    }) : () -> ()
    return
  }
}

#map = affine_map<(d0, d1) -> (0, 0)>
#map1 = affine_map<(d0, d1) -> (0, 0, 0)>
module attributes {stable_mosaic.version = 14 : i64} {
  func.func @_agg_body(%arg0: i32, %arg1: i32, %arg2: memref<10000x128xf32, #tpu.memory_space<hbm>>, %arg3: memref<32x79x128xi32, #tpu.memory_space<hbm>>, %arg4: memref<32x79x128xi32, #tpu.memory_space<hbm>>, %arg5: memref<2x10240x128xf32, #tpu.memory_space<hbm>>, %arg6: memref<79x128xi32, #tpu.memory_space<vmem>>, %arg7: memref<79x128xi32, #tpu.memory_space<vmem>>, %arg8: memref<128x128xf32, #tpu.memory_space<vmem>>, %arg9: memref<10240x128xf32, #tpu.memory_space<vmem_shared>>) attributes {dimension_semantics = [#tpu.dimension_semantics<core_parallel>, #tpu.dimension_semantics<subcore_parallel>], iteration_bounds = array<i64: 2, 16>, scalar_prefetch = 0 : i64, scratch_operands = 4 : i64, tpu.core_type = #tpu.core_type<sc_vector_subcore>, window_params = [{transform_indices = #map}, {transform_indices = #map1}, {transform_indices = #map1}, {transform_indices = #map1}]} {
    %mul3A = arith.constant 2 : i32
    %mul3A_0 = arith.muli %arg1, %mul3A : i32
    %add3A = arith.addi %mul3A_0, %arg0 : i32
    %broadcast_in_dim3A = arith.constant 0.000000e+00 : f32
    %broadcast_in_dim3A_1 = vector.broadcast %broadcast_in_dim3A : f32 to vector<16xf32>
    %scan3A = arith.constant 0 : i32
    %scan3A_2 = arith.constant 128 : i32
    %scan3A_3 = arith.addi %scan3A, %scan3A_2 : i32
    %scan3A_4 = arith.constant 1 : i32
    scf.for %scan3A_21 = %scan3A to %scan3A_3 step %scan3A_4  : i32 {
      %mul3A_22 = arith.constant 1 : i32
      %mul3A_23 = arith.muli %scan3A_21, %mul3A_22 : i32
      %add3A_24 = arith.constant 0 : i32
      %add3A_25 = arith.addi %add3A_24, %mul3A_23 : i32
      %scan3A_26 = arith.constant 0 : i32
      %scan3A_27 = arith.constant 8 : i32
      %scan3A_28 = arith.addi %scan3A_26, %scan3A_27 : i32
      %scan3A_29 = arith.constant 1 : i32
      scf.for %scan3A_31 = %scan3A_26 to %scan3A_28 step %scan3A_29  : i32 {
        %mul3A_32 = arith.constant 1 : i32
        %mul3A_33 = arith.muli %scan3A_31, %mul3A_32 : i32
        %add3A_34 = arith.constant 0 : i32
        %add3A_35 = arith.addi %add3A_34, %mul3A_33 : i32
        %mul3A_36 = arith.constant 16 : i32
        %mul3A_37 = arith.muli %add3A_35, %mul3A_36 : i32
        %swap3A = arith.index_cast %add3A_25 : i32 to index
        %swap3A_38 = arith.index_cast %mul3A_37 : i32 to index
        %swap3A_39 = tpu.vector_load %arg8[%swap3A, %swap3A_38] {strides = array<i32>} : memref<128x128xf32, #tpu.memory_space<vmem>>, vector<16xf32>,
        tpu.vector_store %arg8[%swap3A, %swap3A_38], %broadcast_in_dim3A_1 {strides = array<i32>} : memref<128x128xf32, #tpu.memory_space<vmem>>, vector<16xf32>,
      }
      %scan3A_30 = arith.constant 8 : i32
    }
    %scan3A_5 = arith.constant 128 : i32
    %scan3A_6 = arith.constant 0 : i32
    %scan3A_7 = arith.constant 5 : i32
    %scan3A_8 = arith.addi %scan3A_6, %scan3A_7 : i32
    %scan3A_9 = arith.constant 1 : i32
    scf.for %scan3A_21 = %scan3A_6 to %scan3A_8 step %scan3A_9  : i32 {
      %mul3A_22 = arith.constant 1 : i32
      %mul3A_23 = arith.muli %scan3A_21, %mul3A_22 : i32
      %add3A_24 = arith.constant 0 : i32
      %add3A_25 = arith.addi %add3A_24, %mul3A_23 : i32
      %mul3A_26 = arith.constant 640 : i32
      %mul3A_27 = arith.muli %arg1, %mul3A_26 : i32
      %mul3A_28 = arith.constant 128 : i32
      %mul3A_29 = arith.muli %add3A_25, %mul3A_28 : i32
      %add3A_30 = arith.addi %mul3A_27, %mul3A_29 : i32
      "tpu.region"() ({
        %run_scoped3A = tpu.sem_alloc : memref<!tpu.dma_semaphore, #tpu.memory_space<semaphore_mem>>
        %dma_start3A = arith.constant 0 : i32
        %dma_start3A_31 = tpu.memref_slice %arg9[%add3A_30, %dma_start3A] : memref<10240x128xf32, #tpu.memory_space<vmem_shared>> -> memref<128x128xf32, #tpu.memory_space<vmem_shared>>
        %dma_start3A_32 = arith.constant 0 : i32
        %dma_start3A_33 = tpu.memref_slice %arg9[%add3A_30, %dma_start3A_32] : memref<10240x128xf32, #tpu.memory_space<vmem_shared>> -> memref<128x128xf32, #tpu.memory_space<vmem_shared>>
        tpu.enqueue_dma source(%arg8 : memref<128x128xf32, #tpu.memory_space<vmem>>) target(%dma_start3A_33 : memref<128x128xf32, #tpu.memory_space<vmem_shared>>) target_semaphore(%run_scoped3A : memref<!tpu.dma_semaphore, #tpu.memory_space<semaphore_mem>>)
        %dma_wait3A = arith.constant 0 : i32
        %dma_wait3A_34 = tpu.memref_slice %arg9[%add3A_30, %dma_wait3A] : memref<10240x128xf32, #tpu.memory_space<vmem_shared>> -> memref<128x128xf32, #tpu.memory_space<vmem_shared>>
        %dma_wait3A_35 = arith.constant 0 : i32
        %dma_wait3A_36 = tpu.memref_slice %arg9[%add3A_30, %dma_wait3A_35] : memref<10240x128xf32, #tpu.memory_space<vmem_shared>> -> memref<128x128xf32, #tpu.memory_space<vmem_shared>>
        tpu.wait_dma2 semaphore(%run_scoped3A : memref<!tpu.dma_semaphore, #tpu.memory_space<semaphore_mem>>) src(%arg8 : memref<128x128xf32, #tpu.memory_space<vmem>>) dst(%dma_wait3A_36 : memref<128x128xf32, #tpu.memory_space<vmem_shared>>)
        tpu.yield
      }) : () -> ()
    }
    %scan3A_10 = arith.constant 5 : i32
    "tpu.region"() ({
      %run_scoped3A = tpu.sem_alloc : memref<!tpu.dma_semaphore, #tpu.memory_space<semaphore_mem>>
      %dma_start3A = arith.constant 0 : i32
      %dma_start3A_21 = arith.constant 0 : i32
      %dma_start3A_22 = tpu.memref_slice %arg3[%add3A, %dma_start3A, %dma_start3A_21] : memref<32x79x128xi32, #tpu.memory_space<hbm>> -> memref<1x79x128xi32, #tpu.memory_space<hbm>>
      %dma_start3A_23 = tpu.memref_squeeze %dma_start3A_22 : memref<1x79x128xi32, #tpu.memory_space<hbm>> -> memref<79x128xi32, #tpu.memory_space<hbm>>
      %dma_start3A_24 = arith.constant 0 : i32
      %dma_start3A_25 = arith.constant 0 : i32
      %dma_start3A_26 = tpu.memref_slice %arg3[%add3A, %dma_start3A_24, %dma_start3A_25] : memref<32x79x128xi32, #tpu.memory_space<hbm>> -> memref<1x79x128xi32, #tpu.memory_space<hbm>>
      %dma_start3A_27 = tpu.memref_squeeze %dma_start3A_26 : memref<1x79x128xi32, #tpu.memory_space<hbm>> -> memref<79x128xi32, #tpu.memory_space<hbm>>
      tpu.enqueue_dma source(%dma_start3A_27 : memref<79x128xi32, #tpu.memory_space<hbm>>) target(%arg6 : memref<79x128xi32, #tpu.memory_space<vmem>>) target_semaphore(%run_scoped3A : memref<!tpu.dma_semaphore, #tpu.memory_space<semaphore_mem>>)
      %dma_wait3A = arith.constant 0 : i32
      %dma_wait3A_28 = arith.constant 0 : i32
      %dma_wait3A_29 = tpu.memref_slice %arg3[%add3A, %dma_wait3A, %dma_wait3A_28] : memref<32x79x128xi32, #tpu.memory_space<hbm>> -> memref<1x79x128xi32, #tpu.memory_space<hbm>>
      %dma_wait3A_30 = tpu.memref_squeeze %dma_wait3A_29 : memref<1x79x128xi32, #tpu.memory_space<hbm>> -> memref<79x128xi32, #tpu.memory_space<hbm>>
      %dma_wait3A_31 = arith.constant 0 : i32
      %dma_wait3A_32 = arith.constant 0 : i32
      %dma_wait3A_33 = tpu.memref_slice %arg3[%add3A, %dma_wait3A_31, %dma_wait3A_32] : memref<32x79x128xi32, #tpu.memory_space<hbm>> -> memref<1x79x128xi32, #tpu.memory_space<hbm>>
      %dma_wait3A_34 = tpu.memref_squeeze %dma_wait3A_33 : memref<1x79x128xi32, #tpu.memory_space<hbm>> -> memref<79x128xi32, #tpu.memory_space<hbm>>
      tpu.wait_dma2 semaphore(%run_scoped3A : memref<!tpu.dma_semaphore, #tpu.memory_space<semaphore_mem>>) src(%dma_wait3A_34 : memref<79x128xi32, #tpu.memory_space<hbm>>) dst(%arg6 : memref<79x128xi32, #tpu.memory_space<vmem>>)
      tpu.yield
    }) : () -> ()
    "tpu.region"() ({
      %run_scoped3A = tpu.sem_alloc : memref<!tpu.dma_semaphore, #tpu.memory_space<semaphore_mem>>
      %dma_start3A = arith.constant 0 : i32
      %dma_start3A_21 = arith.constant 0 : i32
      %dma_start3A_22 = tpu.memref_slice %arg4[%add3A, %dma_start3A, %dma_start3A_21] : memref<32x79x128xi32, #tpu.memory_space<hbm>> -> memref<1x79x128xi32, #tpu.memory_space<hbm>>
      %dma_start3A_23 = tpu.memref_squeeze %dma_start3A_22 : memref<1x79x128xi32, #tpu.memory_space<hbm>> -> memref<79x128xi32, #tpu.memory_space<hbm>>
      %dma_start3A_24 = arith.constant 0 : i32
      %dma_start3A_25 = arith.constant 0 : i32
      %dma_start3A_26 = tpu.memref_slice %arg4[%add3A, %dma_start3A_24, %dma_start3A_25] : memref<32x79x128xi32, #tpu.memory_space<hbm>> -> memref<1x79x128xi32, #tpu.memory_space<hbm>>
      %dma_start3A_27 = tpu.memref_squeeze %dma_start3A_26 : memref<1x79x128xi32, #tpu.memory_space<hbm>> -> memref<79x128xi32, #tpu.memory_space<hbm>>
      tpu.enqueue_dma source(%dma_start3A_27 : memref<79x128xi32, #tpu.memory_space<hbm>>) target(%arg7 : memref<79x128xi32, #tpu.memory_space<vmem>>) target_semaphore(%run_scoped3A : memref<!tpu.dma_semaphore, #tpu.memory_space<semaphore_mem>>)
      %dma_wait3A = arith.constant 0 : i32
      %dma_wait3A_28 = arith.constant 0 : i32
      %dma_wait3A_29 = tpu.memref_slice %arg4[%add3A, %dma_wait3A, %dma_wait3A_28] : memref<32x79x128xi32, #tpu.memory_space<hbm>> -> memref<1x79x128xi32, #tpu.memory_space<hbm>>
      %dma_wait3A_30 = tpu.memref_squeeze %dma_wait3A_29 : memref<1x79x128xi32, #tpu.memory_space<hbm>> -> memref<79x128xi32, #tpu.memory_space<hbm>>
      %dma_wait3A_31 = arith.constant 0 : i32
      %dma_wait3A_32 = arith.constant 0 : i32
      %dma_wait3A_33 = tpu.memref_slice %arg4[%add3A, %dma_wait3A_31, %dma_wait3A_32] : memref<32x79x128xi32, #tpu.memory_space<hbm>> -> memref<1x79x128xi32, #tpu.memory_space<hbm>>
      %dma_wait3A_34 = tpu.memref_squeeze %dma_wait3A_33 : memref<1x79x128xi32, #tpu.memory_space<hbm>> -> memref<79x128xi32, #tpu.memory_space<hbm>>
      tpu.wait_dma2 semaphore(%run_scoped3A : memref<!tpu.dma_semaphore, #tpu.memory_space<semaphore_mem>>) src(%dma_wait3A_34 : memref<79x128xi32, #tpu.memory_space<hbm>>) dst(%arg7 : memref<79x128xi32, #tpu.memory_space<vmem>>)
      tpu.yield
    }) : () -> ()
    %barrier3A = arith.constant 0 : index
    tpu.barrier barrier_id(%barrier3A)
    %scan3A_11 = arith.constant 0 : i32
    %scan3A_12 = arith.constant 79 : i32
    %scan3A_13 = arith.addi %scan3A_11, %scan3A_12 : i32
    %scan3A_14 = arith.constant 1 : i32
    scf.for %scan3A_21 = %scan3A_11 to %scan3A_13 step %scan3A_14  : i32 {
      %mul3A_22 = arith.constant 1 : i32
      %mul3A_23 = arith.muli %scan3A_21, %mul3A_22 : i32
      %add3A_24 = arith.constant 0 : i32
      %add3A_25 = arith.addi %add3A_24, %mul3A_23 : i32
      "tpu.region"() ({
        %run_scoped3A = tpu.sem_alloc : memref<!tpu.dma_semaphore, #tpu.memory_space<semaphore_mem>>
        %dma_start3A = arith.constant 0 : i32
        %dma_start3A_26 = tpu.memref_slice %arg6[%add3A_25, %dma_start3A] : memref<79x128xi32, #tpu.memory_space<vmem>> -> memref<1x128xi32, #tpu.memory_space<vmem>>
        %dma_start3A_27 = tpu.memref_squeeze %dma_start3A_26 : memref<1x128xi32, #tpu.memory_space<vmem>> -> memref<128xi32, #tpu.memory_space<vmem>>
        %dma_start3A_28 = arith.constant 0 : i32
        %dma_start3A_29 = arith.constant 0 : i32
        %dma_start3A_30 = tpu.memref_slice %arg2[%dma_start3A_28, %dma_start3A_29] : memref<10000x128xf32, #tpu.memory_space<hbm>> -> memref<10000x128xf32, #tpu.memory_space<hbm>>
        tpu.enqueue_indirect_dma source(%dma_start3A_30 : memref<10000x128xf32, #tpu.memory_space<hbm>>) target(%arg8 : memref<128x128xf32, #tpu.memory_space<vmem>>) offsets(%dma_start3A_27 : memref<128xi32, #tpu.memory_space<vmem>>) semaphore(%run_scoped3A : memref<!tpu.dma_semaphore, #tpu.memory_space<semaphore_mem>>)
        %dma_wait3A = arith.constant 0 : i32
        %dma_wait3A_31 = tpu.memref_slice %arg6[%add3A_25, %dma_wait3A] : memref<79x128xi32, #tpu.memory_space<vmem>> -> memref<1x128xi32, #tpu.memory_space<vmem>>
        %dma_wait3A_32 = tpu.memref_squeeze %dma_wait3A_31 : memref<1x128xi32, #tpu.memory_space<vmem>> -> memref<128xi32, #tpu.memory_space<vmem>>
        %dma_wait3A_33 = arith.constant 0 : i32
        %dma_wait3A_34 = arith.constant 0 : i32
        %dma_wait3A_35 = tpu.memref_slice %arg2[%dma_wait3A_33, %dma_wait3A_34] : memref<10000x128xf32, #tpu.memory_space<hbm>> -> memref<10000x128xf32, #tpu.memory_space<hbm>>
        tpu.wait_indirect_dma semaphore(%run_scoped3A : memref<!tpu.dma_semaphore, #tpu.memory_space<semaphore_mem>>) src(%dma_wait3A_35 : memref<10000x128xf32, #tpu.memory_space<hbm>>) dst(%arg8 : memref<128x128xf32, #tpu.memory_space<vmem>>)
        tpu.yield
      }) : () -> ()
      "tpu.region"() ({
        %run_scoped3A = tpu.sem_alloc : memref<!tpu.dma_semaphore, #tpu.memory_space<semaphore_mem>>
        %dma_start3A = arith.constant 0 : i32
        %dma_start3A_26 = tpu.memref_slice %arg7[%add3A_25, %dma_start3A] : memref<79x128xi32, #tpu.memory_space<vmem>> -> memref<1x128xi32, #tpu.memory_space<vmem>>
        %dma_start3A_27 = tpu.memref_squeeze %dma_start3A_26 : memref<1x128xi32, #tpu.memory_space<vmem>> -> memref<128xi32, #tpu.memory_space<vmem>>
        %dma_start3A_28 = arith.constant 0 : i32
        %dma_start3A_29 = arith.constant 0 : i32
        %dma_start3A_30 = tpu.memref_slice %arg9[%dma_start3A_28, %dma_start3A_29] : memref<10240x128xf32, #tpu.memory_space<vmem_shared>> -> memref<10240x128xf32, #tpu.memory_space<vmem_shared>>
        tpu.enqueue_indirect_dma source(%arg8 : memref<128x128xf32, #tpu.memory_space<vmem>>) target(%dma_start3A_30 : memref<10240x128xf32, #tpu.memory_space<vmem_shared>>) offsets(%dma_start3A_27 : memref<128xi32, #tpu.memory_space<vmem>>) semaphore(%run_scoped3A : memref<!tpu.dma_semaphore, #tpu.memory_space<semaphore_mem>>) {add = true}
        %dma_wait3A = arith.constant 0 : i32
        %dma_wait3A_31 = tpu.memref_slice %arg7[%add3A_25, %dma_wait3A] : memref<79x128xi32, #tpu.memory_space<vmem>> -> memref<1x128xi32, #tpu.memory_space<vmem>>
        %dma_wait3A_32 = tpu.memref_squeeze %dma_wait3A_31 : memref<1x128xi32, #tpu.memory_space<vmem>> -> memref<128xi32, #tpu.memory_space<vmem>>
        %dma_wait3A_33 = arith.constant 0 : i32
        %dma_wait3A_34 = arith.constant 0 : i32
        %dma_wait3A_35 = tpu.memref_slice %arg9[%dma_wait3A_33, %dma_wait3A_34] : memref<10240x128xf32, #tpu.memory_space<vmem_shared>> -> memref<10240x128xf32, #tpu.memory_space<vmem_shared>>
        tpu.wait_indirect_dma semaphore(%run_scoped3A : memref<!tpu.dma_semaphore, #tpu.memory_space<semaphore_mem>>) src(%arg8 : memref<128x128xf32, #tpu.memory_space<vmem>>) dst(%dma_wait3A_35 : memref<10240x128xf32, #tpu.memory_space<vmem_shared>>)
        tpu.yield
      }) : () -> ()
    }
    %scan3A_15 = arith.constant 79 : i32
    %barrier3A_16 = arith.constant 0 : index
    tpu.barrier barrier_id(%barrier3A_16)
    %mul3A_17 = arith.constant 640 : i32
    %mul3A_18 = arith.muli %arg1, %mul3A_17 : i32
    %mul3A_19 = arith.constant 640 : i32
    %mul3A_20 = arith.muli %arg1, %mul3A_19 : i32
    "tpu.region"() ({
      %run_scoped3A = tpu.sem_alloc : memref<!tpu.dma_semaphore, #tpu.memory_space<semaphore_mem>>
      %dma_start3A = arith.constant 0 : i32
      %dma_start3A_21 = arith.constant 0 : i32
      %dma_start3A_22 = tpu.memref_slice %arg5[%arg0, %dma_start3A, %dma_start3A_21] : memref<2x10240x128xf32, #tpu.memory_space<hbm>> -> memref<1x10240x128xf32, #tpu.memory_space<hbm>>
      %dma_start3A_23 = tpu.memref_squeeze %dma_start3A_22 : memref<1x10240x128xf32, #tpu.memory_space<hbm>> -> memref<10240x128xf32, #tpu.memory_space<hbm>>
      %dma_start3A_24 = arith.constant 0 : i32
      %dma_start3A_25 = tpu.memref_slice %dma_start3A_23[%mul3A_20, %dma_start3A_24] : memref<10240x128xf32, #tpu.memory_space<hbm>> -> memref<640x128xf32, #tpu.memory_space<hbm>>
      %dma_start3A_26 = arith.constant 0 : i32
      %dma_start3A_27 = tpu.memref_slice %arg9[%mul3A_18, %dma_start3A_26] : memref<10240x128xf32, #tpu.memory_space<vmem_shared>> -> memref<640x128xf32, #tpu.memory_space<vmem_shared>>
      tpu.enqueue_dma source(%dma_start3A_27 : memref<640x128xf32, #tpu.memory_space<vmem_shared>>) target(%dma_start3A_25 : memref<640x128xf32, #tpu.memory_space<hbm>>) target_semaphore(%run_scoped3A : memref<!tpu.dma_semaphore, #tpu.memory_space<semaphore_mem>>)
      %dma_wait3A = arith.constant 0 : i32
      %dma_wait3A_28 = arith.constant 0 : i32
      %dma_wait3A_29 = tpu.memref_slice %arg5[%arg0, %dma_wait3A, %dma_wait3A_28] : memref<2x10240x128xf32, #tpu.memory_space<hbm>> -> memref<1x10240x128xf32, #tpu.memory_space<hbm>>
      %dma_wait3A_30 = tpu.memref_squeeze %dma_wait3A_29 : memref<1x10240x128xf32, #tpu.memory_space<hbm>> -> memref<10240x128xf32, #tpu.memory_space<hbm>>
      %dma_wait3A_31 = arith.constant 0 : i32
      %dma_wait3A_32 = tpu.memref_slice %dma_wait3A_30[%mul3A_20, %dma_wait3A_31] : memref<10240x128xf32, #tpu.memory_space<hbm>> -> memref<640x128xf32, #tpu.memory_space<hbm>>
      %dma_wait3A_33 = arith.constant 0 : i32
      %dma_wait3A_34 = tpu.memref_slice %arg9[%mul3A_18, %dma_wait3A_33] : memref<10240x128xf32, #tpu.memory_space<vmem_shared>> -> memref<640x128xf32, #tpu.memory_space<vmem_shared>>
      tpu.wait_dma2 semaphore(%run_scoped3A : memref<!tpu.dma_semaphore, #tpu.memory_space<semaphore_mem>>) src(%dma_wait3A_34 : memref<640x128xf32, #tpu.memory_space<vmem_shared>>) dst(%dma_wait3A_32 : memref<640x128xf32, #tpu.memory_space<hbm>>)
      tpu.yield
    }) : () -> ()
    return
  }
}

#map = affine_map<(d0, d1) -> (0, 0)>
#map1 = affine_map<(d0, d1) -> (0, 0, 0)>
module attributes {stable_mosaic.version = 14 : i64} {
  func.func @_agg_body(%arg0: i32, %arg1: i32, %arg2: memref<10000x128xf32, #tpu.memory_space<hbm>>, %arg3: memref<32x79x128xi32, #tpu.memory_space<hbm>>, %arg4: memref<32x79x128xi32, #tpu.memory_space<hbm>>, %arg5: memref<2x10240x128xf32, #tpu.memory_space<hbm>>, %arg6: memref<79x128xi32, #tpu.memory_space<vmem>>, %arg7: memref<79x128xi32, #tpu.memory_space<vmem>>, %arg8: memref<128x128xf32, #tpu.memory_space<vmem>>, %arg9: memref<10240x128xf32, #tpu.memory_space<vmem_shared>>) attributes {dimension_semantics = [#tpu.dimension_semantics<core_parallel>, #tpu.dimension_semantics<subcore_parallel>], iteration_bounds = array<i64: 2, 16>, scalar_prefetch = 0 : i64, scratch_operands = 4 : i64, tpu.core_type = #tpu.core_type<sc_vector_subcore>, window_params = [{transform_indices = #map}, {transform_indices = #map1}, {transform_indices = #map1}, {transform_indices = #map1}]} {
    %mul3A = arith.constant 2 : i32
    %mul3A_0 = arith.muli %arg1, %mul3A : i32
    %add3A = arith.addi %mul3A_0, %arg0 : i32
    %broadcast_in_dim3A = arith.constant 0.000000e+00 : f32
    %broadcast_in_dim3A_1 = vector.broadcast %broadcast_in_dim3A : f32 to vector<16xf32>
    %scan3A = arith.constant 0 : i32
    %scan3A_2 = arith.constant 128 : i32
    %scan3A_3 = arith.addi %scan3A, %scan3A_2 : i32
    %scan3A_4 = arith.constant 1 : i32
    scf.for %scan3A_21 = %scan3A to %scan3A_3 step %scan3A_4  : i32 {
      %mul3A_22 = arith.constant 1 : i32
      %mul3A_23 = arith.muli %scan3A_21, %mul3A_22 : i32
      %add3A_24 = arith.constant 0 : i32
      %add3A_25 = arith.addi %add3A_24, %mul3A_23 : i32
      %scan3A_26 = arith.constant 0 : i32
      %scan3A_27 = arith.constant 8 : i32
      %scan3A_28 = arith.addi %scan3A_26, %scan3A_27 : i32
      %scan3A_29 = arith.constant 1 : i32
      scf.for %scan3A_31 = %scan3A_26 to %scan3A_28 step %scan3A_29  : i32 {
        %mul3A_32 = arith.constant 1 : i32
        %mul3A_33 = arith.muli %scan3A_31, %mul3A_32 : i32
        %add3A_34 = arith.constant 0 : i32
        %add3A_35 = arith.addi %add3A_34, %mul3A_33 : i32
        %mul3A_36 = arith.constant 16 : i32
        %mul3A_37 = arith.muli %add3A_35, %mul3A_36 : i32
        %swap3A = arith.index_cast %add3A_25 : i32 to index
        %swap3A_38 = arith.index_cast %mul3A_37 : i32 to index
        %swap3A_39 = tpu.vector_load %arg8[%swap3A, %swap3A_38] {strides = array<i32>} : memref<128x128xf32, #tpu.memory_space<vmem>>, vector<16xf32>,
        tpu.vector_store %arg8[%swap3A, %swap3A_38], %broadcast_in_dim3A_1 {strides = array<i32>} : memref<128x128xf32, #tpu.memory_space<vmem>>, vector<16xf32>,
      }
      %scan3A_30 = arith.constant 8 : i32
    }
    %scan3A_5 = arith.constant 128 : i32
    %scan3A_6 = arith.constant 0 : i32
    %scan3A_7 = arith.constant 5 : i32
    %scan3A_8 = arith.addi %scan3A_6, %scan3A_7 : i32
    %scan3A_9 = arith.constant 1 : i32
    scf.for %scan3A_21 = %scan3A_6 to %scan3A_8 step %scan3A_9  : i32 {
      %mul3A_22 = arith.constant 1 : i32
      %mul3A_23 = arith.muli %scan3A_21, %mul3A_22 : i32
      %add3A_24 = arith.constant 0 : i32
      %add3A_25 = arith.addi %add3A_24, %mul3A_23 : i32
      %mul3A_26 = arith.constant 640 : i32
      %mul3A_27 = arith.muli %arg1, %mul3A_26 : i32
      %mul3A_28 = arith.constant 128 : i32
      %mul3A_29 = arith.muli %add3A_25, %mul3A_28 : i32
      %add3A_30 = arith.addi %mul3A_27, %mul3A_29 : i32
      "tpu.region"() ({
        %run_scoped3A = tpu.sem_alloc : memref<!tpu.dma_semaphore, #tpu.memory_space<semaphore_mem>>
        %dma_start3A = arith.constant 0 : i32
        %dma_start3A_31 = tpu.memref_slice %arg9[%add3A_30, %dma_start3A] : memref<10240x128xf32, #tpu.memory_space<vmem_shared>> -> memref<128x128xf32, #tpu.memory_space<vmem_shared>>
        %dma_start3A_32 = arith.constant 0 : i32
        %dma_start3A_33 = tpu.memref_slice %arg9[%add3A_30, %dma_start3A_32] : memref<10240x128xf32, #tpu.memory_space<vmem_shared>> -> memref<128x128xf32, #tpu.memory_space<vmem_shared>>
        tpu.enqueue_dma source(%arg8 : memref<128x128xf32, #tpu.memory_space<vmem>>) target(%dma_start3A_33 : memref<128x128xf32, #tpu.memory_space<vmem_shared>>) target_semaphore(%run_scoped3A : memref<!tpu.dma_semaphore, #tpu.memory_space<semaphore_mem>>)
        %dma_wait3A = arith.constant 0 : i32
        %dma_wait3A_34 = tpu.memref_slice %arg9[%add3A_30, %dma_wait3A] : memref<10240x128xf32, #tpu.memory_space<vmem_shared>> -> memref<128x128xf32, #tpu.memory_space<vmem_shared>>
        %dma_wait3A_35 = arith.constant 0 : i32
        %dma_wait3A_36 = tpu.memref_slice %arg9[%add3A_30, %dma_wait3A_35] : memref<10240x128xf32, #tpu.memory_space<vmem_shared>> -> memref<128x128xf32, #tpu.memory_space<vmem_shared>>
        tpu.wait_dma2 semaphore(%run_scoped3A : memref<!tpu.dma_semaphore, #tpu.memory_space<semaphore_mem>>) src(%arg8 : memref<128x128xf32, #tpu.memory_space<vmem>>) dst(%dma_wait3A_36 : memref<128x128xf32, #tpu.memory_space<vmem_shared>>)
        tpu.yield
      }) : () -> ()
    }
    %scan3A_10 = arith.constant 5 : i32
    "tpu.region"() ({
      %run_scoped3A = tpu.sem_alloc : memref<!tpu.dma_semaphore, #tpu.memory_space<semaphore_mem>>
      %dma_start3A = arith.constant 0 : i32
      %dma_start3A_21 = arith.constant 0 : i32
      %dma_start3A_22 = tpu.memref_slice %arg3[%add3A, %dma_start3A, %dma_start3A_21] : memref<32x79x128xi32, #tpu.memory_space<hbm>> -> memref<1x79x128xi32, #tpu.memory_space<hbm>>
      %dma_start3A_23 = tpu.memref_squeeze %dma_start3A_22 : memref<1x79x128xi32, #tpu.memory_space<hbm>> -> memref<79x128xi32, #tpu.memory_space<hbm>>
      %dma_start3A_24 = arith.constant 0 : i32
      %dma_start3A_25 = arith.constant 0 : i32
      %dma_start3A_26 = tpu.memref_slice %arg3[%add3A, %dma_start3A_24, %dma_start3A_25] : memref<32x79x128xi32, #tpu.memory_space<hbm>> -> memref<1x79x128xi32, #tpu.memory_space<hbm>>
      %dma_start3A_27 = tpu.memref_squeeze %dma_start3A_26 : memref<1x79x128xi32, #tpu.memory_space<hbm>> -> memref<79x128xi32, #tpu.memory_space<hbm>>
      tpu.enqueue_dma source(%dma_start3A_27 : memref<79x128xi32, #tpu.memory_space<hbm>>) target(%arg6 : memref<79x128xi32, #tpu.memory_space<vmem>>) target_semaphore(%run_scoped3A : memref<!tpu.dma_semaphore, #tpu.memory_space<semaphore_mem>>)
      %dma_wait3A = arith.constant 0 : i32
      %dma_wait3A_28 = arith.constant 0 : i32
      %dma_wait3A_29 = tpu.memref_slice %arg3[%add3A, %dma_wait3A, %dma_wait3A_28] : memref<32x79x128xi32, #tpu.memory_space<hbm>> -> memref<1x79x128xi32, #tpu.memory_space<hbm>>
      %dma_wait3A_30 = tpu.memref_squeeze %dma_wait3A_29 : memref<1x79x128xi32, #tpu.memory_space<hbm>> -> memref<79x128xi32, #tpu.memory_space<hbm>>
      %dma_wait3A_31 = arith.constant 0 : i32
      %dma_wait3A_32 = arith.constant 0 : i32
      %dma_wait3A_33 = tpu.memref_slice %arg3[%add3A, %dma_wait3A_31, %dma_wait3A_32] : memref<32x79x128xi32, #tpu.memory_space<hbm>> -> memref<1x79x128xi32, #tpu.memory_space<hbm>>
      %dma_wait3A_34 = tpu.memref_squeeze %dma_wait3A_33 : memref<1x79x128xi32, #tpu.memory_space<hbm>> -> memref<79x128xi32, #tpu.memory_space<hbm>>
      tpu.wait_dma2 semaphore(%run_scoped3A : memref<!tpu.dma_semaphore, #tpu.memory_space<semaphore_mem>>) src(%dma_wait3A_34 : memref<79x128xi32, #tpu.memory_space<hbm>>) dst(%arg6 : memref<79x128xi32, #tpu.memory_space<vmem>>)
      tpu.yield
    }) : () -> ()
    "tpu.region"() ({
      %run_scoped3A = tpu.sem_alloc : memref<!tpu.dma_semaphore, #tpu.memory_space<semaphore_mem>>
      %dma_start3A = arith.constant 0 : i32
      %dma_start3A_21 = arith.constant 0 : i32
      %dma_start3A_22 = tpu.memref_slice %arg4[%add3A, %dma_start3A, %dma_start3A_21] : memref<32x79x128xi32, #tpu.memory_space<hbm>> -> memref<1x79x128xi32, #tpu.memory_space<hbm>>
      %dma_start3A_23 = tpu.memref_squeeze %dma_start3A_22 : memref<1x79x128xi32, #tpu.memory_space<hbm>> -> memref<79x128xi32, #tpu.memory_space<hbm>>
      %dma_start3A_24 = arith.constant 0 : i32
      %dma_start3A_25 = arith.constant 0 : i32
      %dma_start3A_26 = tpu.memref_slice %arg4[%add3A, %dma_start3A_24, %dma_start3A_25] : memref<32x79x128xi32, #tpu.memory_space<hbm>> -> memref<1x79x128xi32, #tpu.memory_space<hbm>>
      %dma_start3A_27 = tpu.memref_squeeze %dma_start3A_26 : memref<1x79x128xi32, #tpu.memory_space<hbm>> -> memref<79x128xi32, #tpu.memory_space<hbm>>
      tpu.enqueue_dma source(%dma_start3A_27 : memref<79x128xi32, #tpu.memory_space<hbm>>) target(%arg7 : memref<79x128xi32, #tpu.memory_space<vmem>>) target_semaphore(%run_scoped3A : memref<!tpu.dma_semaphore, #tpu.memory_space<semaphore_mem>>)
      %dma_wait3A = arith.constant 0 : i32
      %dma_wait3A_28 = arith.constant 0 : i32
      %dma_wait3A_29 = tpu.memref_slice %arg4[%add3A, %dma_wait3A, %dma_wait3A_28] : memref<32x79x128xi32, #tpu.memory_space<hbm>> -> memref<1x79x128xi32, #tpu.memory_space<hbm>>
      %dma_wait3A_30 = tpu.memref_squeeze %dma_wait3A_29 : memref<1x79x128xi32, #tpu.memory_space<hbm>> -> memref<79x128xi32, #tpu.memory_space<hbm>>
      %dma_wait3A_31 = arith.constant 0 : i32
      %dma_wait3A_32 = arith.constant 0 : i32
      %dma_wait3A_33 = tpu.memref_slice %arg4[%add3A, %dma_wait3A_31, %dma_wait3A_32] : memref<32x79x128xi32, #tpu.memory_space<hbm>> -> memref<1x79x128xi32, #tpu.memory_space<hbm>>
      %dma_wait3A_34 = tpu.memref_squeeze %dma_wait3A_33 : memref<1x79x128xi32, #tpu.memory_space<hbm>> -> memref<79x128xi32, #tpu.memory_space<hbm>>
      tpu.wait_dma2 semaphore(%run_scoped3A : memref<!tpu.dma_semaphore, #tpu.memory_space<semaphore_mem>>) src(%dma_wait3A_34 : memref<79x128xi32, #tpu.memory_space<hbm>>) dst(%arg7 : memref<79x128xi32, #tpu.memory_space<vmem>>)
      tpu.yield
    }) : () -> ()
    %barrier3A = arith.constant 0 : index
    tpu.barrier barrier_id(%barrier3A)
    %scan3A_11 = arith.constant 0 : i32
    %scan3A_12 = arith.constant 79 : i32
    %scan3A_13 = arith.addi %scan3A_11, %scan3A_12 : i32
    %scan3A_14 = arith.constant 1 : i32
    scf.for %scan3A_21 = %scan3A_11 to %scan3A_13 step %scan3A_14  : i32 {
      %mul3A_22 = arith.constant 1 : i32
      %mul3A_23 = arith.muli %scan3A_21, %mul3A_22 : i32
      %add3A_24 = arith.constant 0 : i32
      %add3A_25 = arith.addi %add3A_24, %mul3A_23 : i32
      "tpu.region"() ({
        %run_scoped3A = tpu.sem_alloc : memref<!tpu.dma_semaphore, #tpu.memory_space<semaphore_mem>>
        %dma_start3A = arith.constant 0 : i32
        %dma_start3A_26 = tpu.memref_slice %arg6[%add3A_25, %dma_start3A] : memref<79x128xi32, #tpu.memory_space<vmem>> -> memref<1x128xi32, #tpu.memory_space<vmem>>
        %dma_start3A_27 = tpu.memref_squeeze %dma_start3A_26 : memref<1x128xi32, #tpu.memory_space<vmem>> -> memref<128xi32, #tpu.memory_space<vmem>>
        %dma_start3A_28 = arith.constant 0 : i32
        %dma_start3A_29 = arith.constant 0 : i32
        %dma_start3A_30 = tpu.memref_slice %arg2[%dma_start3A_28, %dma_start3A_29] : memref<10000x128xf32, #tpu.memory_space<hbm>> -> memref<10000x128xf32, #tpu.memory_space<hbm>>
        tpu.enqueue_indirect_dma source(%dma_start3A_30 : memref<10000x128xf32, #tpu.memory_space<hbm>>) target(%arg8 : memref<128x128xf32, #tpu.memory_space<vmem>>) offsets(%dma_start3A_27 : memref<128xi32, #tpu.memory_space<vmem>>) semaphore(%run_scoped3A : memref<!tpu.dma_semaphore, #tpu.memory_space<semaphore_mem>>)
        %dma_wait3A = arith.constant 0 : i32
        %dma_wait3A_31 = tpu.memref_slice %arg6[%add3A_25, %dma_wait3A] : memref<79x128xi32, #tpu.memory_space<vmem>> -> memref<1x128xi32, #tpu.memory_space<vmem>>
        %dma_wait3A_32 = tpu.memref_squeeze %dma_wait3A_31 : memref<1x128xi32, #tpu.memory_space<vmem>> -> memref<128xi32, #tpu.memory_space<vmem>>
        %dma_wait3A_33 = arith.constant 0 : i32
        %dma_wait3A_34 = arith.constant 0 : i32
        %dma_wait3A_35 = tpu.memref_slice %arg2[%dma_wait3A_33, %dma_wait3A_34] : memref<10000x128xf32, #tpu.memory_space<hbm>> -> memref<10000x128xf32, #tpu.memory_space<hbm>>
        tpu.wait_indirect_dma semaphore(%run_scoped3A : memref<!tpu.dma_semaphore, #tpu.memory_space<semaphore_mem>>) src(%dma_wait3A_35 : memref<10000x128xf32, #tpu.memory_space<hbm>>) dst(%arg8 : memref<128x128xf32, #tpu.memory_space<vmem>>)
        tpu.yield
      }) : () -> ()
      "tpu.region"() ({
        %run_scoped3A = tpu.sem_alloc : memref<!tpu.dma_semaphore, #tpu.memory_space<semaphore_mem>>
        %dma_start3A = arith.constant 0 : i32
        %dma_start3A_26 = tpu.memref_slice %arg7[%add3A_25, %dma_start3A] : memref<79x128xi32, #tpu.memory_space<vmem>> -> memref<1x128xi32, #tpu.memory_space<vmem>>
        %dma_start3A_27 = tpu.memref_squeeze %dma_start3A_26 : memref<1x128xi32, #tpu.memory_space<vmem>> -> memref<128xi32, #tpu.memory_space<vmem>>
        %dma_start3A_28 = arith.constant 0 : i32
        %dma_start3A_29 = arith.constant 0 : i32
        %dma_start3A_30 = tpu.memref_slice %arg9[%dma_start3A_28, %dma_start3A_29] : memref<10240x128xf32, #tpu.memory_space<vmem_shared>> -> memref<10240x128xf32, #tpu.memory_space<vmem_shared>>
        tpu.enqueue_indirect_dma source(%arg8 : memref<128x128xf32, #tpu.memory_space<vmem>>) target(%dma_start3A_30 : memref<10240x128xf32, #tpu.memory_space<vmem_shared>>) offsets(%dma_start3A_27 : memref<128xi32, #tpu.memory_space<vmem>>) semaphore(%run_scoped3A : memref<!tpu.dma_semaphore, #tpu.memory_space<semaphore_mem>>) {add = true}
        %dma_wait3A = arith.constant 0 : i32
        %dma_wait3A_31 = tpu.memref_slice %arg7[%add3A_25, %dma_wait3A] : memref<79x128xi32, #tpu.memory_space<vmem>> -> memref<1x128xi32, #tpu.memory_space<vmem>>
        %dma_wait3A_32 = tpu.memref_squeeze %dma_wait3A_31 : memref<1x128xi32, #tpu.memory_space<vmem>> -> memref<128xi32, #tpu.memory_space<vmem>>
        %dma_wait3A_33 = arith.constant 0 : i32
        %dma_wait3A_34 = arith.constant 0 : i32
        %dma_wait3A_35 = tpu.memref_slice %arg9[%dma_wait3A_33, %dma_wait3A_34] : memref<10240x128xf32, #tpu.memory_space<vmem_shared>> -> memref<10240x128xf32, #tpu.memory_space<vmem_shared>>
        tpu.wait_indirect_dma semaphore(%run_scoped3A : memref<!tpu.dma_semaphore, #tpu.memory_space<semaphore_mem>>) src(%arg8 : memref<128x128xf32, #tpu.memory_space<vmem>>) dst(%dma_wait3A_35 : memref<10240x128xf32, #tpu.memory_space<vmem_shared>>)
        tpu.yield
      }) : () -> ()
    }
    %scan3A_15 = arith.constant 79 : i32
    %barrier3A_16 = arith.constant 0 : index
    tpu.barrier barrier_id(%barrier3A_16)
    %mul3A_17 = arith.constant 640 : i32
    %mul3A_18 = arith.muli %arg1, %mul3A_17 : i32
    %mul3A_19 = arith.constant 640 : i32
    %mul3A_20 = arith.muli %arg1, %mul3A_19 : i32
    "tpu.region"() ({
      %run_scoped3A = tpu.sem_alloc : memref<!tpu.dma_semaphore, #tpu.memory_space<semaphore_mem>>
      %dma_start3A = arith.constant 0 : i32
      %dma_start3A_21 = arith.constant 0 : i32
      %dma_start3A_22 = tpu.memref_slice %arg5[%arg0, %dma_start3A, %dma_start3A_21] : memref<2x10240x128xf32, #tpu.memory_space<hbm>> -> memref<1x10240x128xf32, #tpu.memory_space<hbm>>
      %dma_start3A_23 = tpu.memref_squeeze %dma_start3A_22 : memref<1x10240x128xf32, #tpu.memory_space<hbm>> -> memref<10240x128xf32, #tpu.memory_space<hbm>>
      %dma_start3A_24 = arith.constant 0 : i32
      %dma_start3A_25 = tpu.memref_slice %dma_start3A_23[%mul3A_20, %dma_start3A_24] : memref<10240x128xf32, #tpu.memory_space<hbm>> -> memref<640x128xf32, #tpu.memory_space<hbm>>
      %dma_start3A_26 = arith.constant 0 : i32
      %dma_start3A_27 = tpu.memref_slice %arg9[%mul3A_18, %dma_start3A_26] : memref<10240x128xf32, #tpu.memory_space<vmem_shared>> -> memref<640x128xf32, #tpu.memory_space<vmem_shared>>
      tpu.enqueue_dma source(%dma_start3A_27 : memref<640x128xf32, #tpu.memory_space<vmem_shared>>) target(%dma_start3A_25 : memref<640x128xf32, #tpu.memory_space<hbm>>) target_semaphore(%run_scoped3A : memref<!tpu.dma_semaphore, #tpu.memory_space<semaphore_mem>>)
      %dma_wait3A = arith.constant 0 : i32
      %dma_wait3A_28 = arith.constant 0 : i32
      %dma_wait3A_29 = tpu.memref_slice %arg5[%arg0, %dma_wait3A, %dma_wait3A_28] : memref<2x10240x128xf32, #tpu.memory_space<hbm>> -> memref<1x10240x128xf32, #tpu.memory_space<hbm>>
      %dma_wait3A_30 = tpu.memref_squeeze %dma_wait3A_29 : memref<1x10240x128xf32, #tpu.memory_space<hbm>> -> memref<10240x128xf32, #tpu.memory_space<hbm>>
      %dma_wait3A_31 = arith.constant 0 : i32
      %dma_wait3A_32 = tpu.memref_slice %dma_wait3A_30[%mul3A_20, %dma_wait3A_31] : memref<10240x128xf32, #tpu.memory_space<hbm>> -> memref<640x128xf32, #tpu.memory_space<hbm>>
      %dma_wait3A_33 = arith.constant 0 : i32
      %dma_wait3A_34 = tpu.memref_slice %arg9[%mul3A_18, %dma_wait3A_33] : memref<10240x128xf32, #tpu.memory_space<vmem_shared>> -> memref<640x128xf32, #tpu.memory_space<vmem_shared>>
      tpu.wait_dma2 semaphore(%run_scoped3A : memref<!tpu.dma_semaphore, #tpu.memory_space<semaphore_mem>>) src(%dma_wait3A_34 : memref<640x128xf32, #tpu.memory_space<vmem_shared>>) dst(%dma_wait3A_32 : memref<640x128xf32, #tpu.memory_space<hbm>>)
      tpu.yield
    }) : () -> ()
    return
  }
}

module attributes {stable_mosaic.version = 14 : i64} {
  func.func @_dinv_body(%arg0: memref<32x80x128xf32, #tpu.memory_space<vmem>>, %arg1: memref<80x128xf32, #tpu.memory_space<vmem>>) attributes {dimension_semantics = [], scalar_prefetch = 0 : i64, scratch_operands = 0 : i64, tpu.core_type = #tpu.core_type<tc>} {
    %get3A = arith.constant 0 : index
    %get3A_0 = arith.constant 0 : index
    %get3A_1 = arith.constant 0 : index
    %get3A_2 = vector.load %arg0[%get3A, %get3A_0, %get3A_1] : memref<32x80x128xf32, #tpu.memory_space<vmem>>, vector<32x80x128xf32>
    %reduce_sum3A = arith.constant dense<0.000000e+00> : vector<80x128xf32>
    %reduce_sum3A_3 = vector.multi_reduction <add>, %get3A_2, %reduce_sum3A [0] : vector<32x80x128xf32> to vector<80x128xf32>
    %add3A = arith.constant 1.000000e+00 : f32
    %add3A_4 = vector.broadcast %add3A : f32 to vector<80x128xf32>
    %add3A_5 = arith.addf %reduce_sum3A_3, %add3A_4 : vector<80x128xf32>
    %sqrt3A = math.sqrt %add3A_5 : vector<80x128xf32>
    %div3A = arith.constant 1.000000e+00 : f32
    %div3A_6 = vector.broadcast %div3A : f32 to vector<80x128xf32>
    %div3A_7 = arith.divf %div3A_6, %sqrt3A : vector<80x128xf32>
    %swap3A = arith.constant 0 : index
    %swap3A_8 = arith.constant 0 : index
    %swap3A_9 = vector.load %arg1[%swap3A, %swap3A_8] : memref<80x128xf32, #tpu.memory_space<vmem>>, vector<80x128xf32>
    tpu.vector_store %arg1[%swap3A, %swap3A_8], %div3A_7 {strides = array<i32>} : memref<80x128xf32, #tpu.memory_space<vmem>>, vector<80x128xf32>,
    return
  }
}

module attributes {stable_mosaic.version = 14 : i64} {
  func.func @_mm_scale_body(%arg0: i32, %arg1: memref<2000x128xf32, #tpu.memory_space<vmem>>, %arg2: memref<128x128xf32, #tpu.memory_space<vmem>>, %arg3: memref<2000x1xf32, #tpu.memory_space<vmem>>, %arg4: memref<2000x128xf32, #tpu.memory_space<vmem>>) attributes {dimension_semantics = [#tpu.dimension_semantics<arbitrary>], iteration_bounds = array<i64: 5>, scalar_prefetch = 0 : i64, scratch_operands = 0 : i64, tpu.core_type = #tpu.core_type<tc>, window_params = [{transform_indices = @transform_0, window_bounds = array<i64: 2000, 128>}, {pipeline_mode = #tpu.pipeline_mode<synchronous>, transform_indices = @transform_1, window_bounds = array<i64: 128, 128>}, {transform_indices = @transform_2, window_bounds = array<i64: 2000, 1>}, {transform_indices = @transform_3, window_bounds = array<i64: 2000, 128>}]} {
    %get3A = arith.constant 0 : index
    %get3A_0 = arith.constant 0 : index
    %get3A_1 = vector.load %arg1[%get3A, %get3A_0] : memref<2000x128xf32, #tpu.memory_space<vmem>>, vector<2000x128xf32>
    %get3A_2 = arith.constant 0 : index
    %get3A_3 = arith.constant 0 : index
    %get3A_4 = vector.load %arg2[%get3A_2, %get3A_3] : memref<128x128xf32, #tpu.memory_space<vmem>>, vector<128x128xf32>
    %dot_general3A = arith.constant dense<0.000000e+00> : vector<2000x128xf32>
    %dot_general3A_5 = tpu.matmul %get3A_1, %get3A_4, %dot_general3A {dimension_numbers = #tpu.dot_dimension_numbers<[1], [0], [0], [1], [0, 0, 1, 1], [], []>, precision = #tpu.contract_precision<fp32>, transpose_lhs_hint = false} : vector<2000x128xf32>, vector<128x128xf32>, vector<2000x128xf32> -> vector<2000x128xf32>
    %get3A_6 = arith.constant 0 : index
    %get3A_7 = arith.constant 0 : index
    %get3A_8 = vector.load %arg3[%get3A_6, %get3A_7] : memref<2000x1xf32, #tpu.memory_space<vmem>>, vector<2000x1xf32>
    %mul3A = vector.broadcast %get3A_8 : vector<2000x1xf32> to vector<2000x128xf32>
    %mul3A_9 = arith.mulf %dot_general3A_5, %mul3A : vector<2000x128xf32>
    %swap3A = arith.constant 0 : index
    %swap3A_10 = arith.constant 0 : index
    %swap3A_11 = vector.load %arg4[%swap3A, %swap3A_10] : memref<2000x128xf32, #tpu.memory_space<vmem>>, vector<2000x128xf32>
    tpu.vector_store %arg4[%swap3A, %swap3A_10], %mul3A_9 {strides = array<i32>} : memref<2000x128xf32, #tpu.memory_space<vmem>>, vector<2000x128xf32>,
    return
  }
  func.func @transform_0(%arg0: i32) -> (i32, i32) {
    %c0_i32 = arith.constant 0 : i32
    %c0_i32_0 = arith.constant 0 : i32
    return %arg0, %c0_i32 : i32, i32
  }
  func.func @transform_1(%arg0: i32) -> (i32, i32) {
    %c0_i32 = arith.constant 0 : i32
    %c0_i32_0 = arith.constant 0 : i32
    %c0_i32_1 = arith.constant 0 : i32
    return %c0_i32, %c0_i32_0 : i32, i32
  }
  func.func @transform_2(%arg0: i32) -> (i32, i32) {
    %c0_i32 = arith.constant 0 : i32
    %c0_i32_0 = arith.constant 0 : i32
    return %arg0, %c0_i32 : i32, i32
  }
  func.func @transform_3(%arg0: i32) -> (i32, i32) {
    %c0_i32 = arith.constant 0 : i32
    %c0_i32_0 = arith.constant 0 : i32
    return %arg0, %c0_i32 : i32, i32
  }
}

module attributes {stable_mosaic.version = 14 : i64} {
  func.func @_layer2_body(%arg0: i32, %arg1: memref<2000x128xf32, #tpu.memory_space<vmem>>, %arg2: memref<2000x128xf32, #tpu.memory_space<vmem>>, %arg3: memref<2000x128xf32, #tpu.memory_space<vmem>>, %arg4: memref<2000x1xf32, #tpu.memory_space<vmem>>, %arg5: memref<1x128xf32, #tpu.memory_space<vmem>>, %arg6: memref<128x128xf32, #tpu.memory_space<vmem>>, %arg7: memref<2000x128xf32, #tpu.memory_space<vmem>>) attributes {dimension_semantics = [#tpu.dimension_semantics<arbitrary>], iteration_bounds = array<i64: 5>, scalar_prefetch = 0 : i64, scratch_operands = 0 : i64, tpu.core_type = #tpu.core_type<tc>, window_params = [{transform_indices = @transform_0, window_bounds = array<i64: 2000, 128>}, {transform_indices = @transform_1, window_bounds = array<i64: 2000, 128>}, {transform_indices = @transform_2, window_bounds = array<i64: 2000, 128>}, {transform_indices = @transform_3, window_bounds = array<i64: 2000, 1>}, {pipeline_mode = #tpu.pipeline_mode<synchronous>, transform_indices = @transform_4, window_bounds = array<i64: 1, 128>}, {pipeline_mode = #tpu.pipeline_mode<synchronous>, transform_indices = @transform_5, window_bounds = array<i64: 128, 128>}, {transform_indices = @transform_6, window_bounds = array<i64: 2000, 128>}]} {
    %get3A = arith.constant 0 : index
    %get3A_0 = arith.constant 0 : index
    %get3A_1 = vector.load %arg1[%get3A, %get3A_0] : memref<2000x128xf32, #tpu.memory_space<vmem>>, vector<2000x128xf32>
    %get3A_2 = arith.constant 0 : index
    %get3A_3 = arith.constant 0 : index
    %get3A_4 = vector.load %arg2[%get3A_2, %get3A_3] : memref<2000x128xf32, #tpu.memory_space<vmem>>, vector<2000x128xf32>
    %add3A = arith.addf %get3A_1, %get3A_4 : vector<2000x128xf32>
    %get3A_5 = arith.constant 0 : index
    %get3A_6 = arith.constant 0 : index
    %get3A_7 = vector.load %arg3[%get3A_5, %get3A_6] : memref<2000x128xf32, #tpu.memory_space<vmem>>, vector<2000x128xf32>
    %add3A_8 = arith.addf %add3A, %get3A_7 : vector<2000x128xf32>
    %get3A_9 = arith.constant 0 : index
    %get3A_10 = arith.constant 0 : index
    %get3A_11 = vector.load %arg4[%get3A_9, %get3A_10] : memref<2000x1xf32, #tpu.memory_space<vmem>>, vector<2000x1xf32>
    %mul3A = vector.broadcast %get3A_11 : vector<2000x1xf32> to vector<2000x128xf32>
    %mul3A_12 = arith.mulf %add3A_8, %mul3A : vector<2000x128xf32>
    %get3A_13 = arith.constant 0 : index
    %get3A_14 = arith.constant 0 : index
    %get3A_15 = vector.load %arg5[%get3A_13, %get3A_14] : memref<1x128xf32, #tpu.memory_space<vmem>>, vector<1x128xf32>
    %add3A_16 = vector.broadcast %get3A_15 : vector<1x128xf32> to vector<2000x128xf32>
    %add3A_17 = arith.addf %mul3A_12, %add3A_16 : vector<2000x128xf32>
    %max3A = arith.constant 0.000000e+00 : f32
    %max3A_18 = vector.broadcast %max3A : f32 to vector<2000x128xf32>
    %max3A_19 = arith.maximumf %add3A_17, %max3A_18 : vector<2000x128xf32>
    %get3A_20 = arith.constant 0 : index
    %get3A_21 = arith.constant 0 : index
    %get3A_22 = vector.load %arg6[%get3A_20, %get3A_21] : memref<128x128xf32, #tpu.memory_space<vmem>>, vector<128x128xf32>
    %dot_general3A = arith.constant dense<0.000000e+00> : vector<2000x128xf32>
    %dot_general3A_23 = tpu.matmul %max3A_19, %get3A_22, %dot_general3A {dimension_numbers = #tpu.dot_dimension_numbers<[1], [0], [0], [1], [0, 0, 1, 1], [], []>, precision = #tpu.contract_precision<fp32>, transpose_lhs_hint = false} : vector<2000x128xf32>, vector<128x128xf32>, vector<2000x128xf32> -> vector<2000x128xf32>
    %get3A_24 = arith.constant 0 : index
    %get3A_25 = arith.constant 0 : index
    %get3A_26 = vector.load %arg4[%get3A_24, %get3A_25] : memref<2000x1xf32, #tpu.memory_space<vmem>>, vector<2000x1xf32>
    %mul3A_27 = vector.broadcast %get3A_26 : vector<2000x1xf32> to vector<2000x128xf32>
    %mul3A_28 = arith.mulf %dot_general3A_23, %mul3A_27 : vector<2000x128xf32>
    %swap3A = arith.constant 0 : index
    %swap3A_29 = arith.constant 0 : index
    %swap3A_30 = vector.load %arg7[%swap3A, %swap3A_29] : memref<2000x128xf32, #tpu.memory_space<vmem>>, vector<2000x128xf32>
    tpu.vector_store %arg7[%swap3A, %swap3A_29], %mul3A_28 {strides = array<i32>} : memref<2000x128xf32, #tpu.memory_space<vmem>>, vector<2000x128xf32>,
    return
  }
  func.func @transform_0(%arg0: i32) -> (i32, i32) {
    %c0_i32 = arith.constant 0 : i32
    %c0_i32_0 = arith.constant 0 : i32
    return %arg0, %c0_i32 : i32, i32
  }
  func.func @transform_1(%arg0: i32) -> (i32, i32) {
    %c0_i32 = arith.constant 0 : i32
    %c0_i32_0 = arith.constant 0 : i32
    return %arg0, %c0_i32 : i32, i32
  }
  func.func @transform_2(%arg0: i32) -> (i32, i32) {
    %c0_i32 = arith.constant 0 : i32
    %c0_i32_0 = arith.constant 0 : i32
    return %arg0, %c0_i32 : i32, i32
  }
  func.func @transform_3(%arg0: i32) -> (i32, i32) {
    %c0_i32 = arith.constant 0 : i32
    %c0_i32_0 = arith.constant 0 : i32
    return %arg0, %c0_i32 : i32, i32
  }
  func.func @transform_4(%arg0: i32) -> (i32, i32) {
    %c0_i32 = arith.constant 0 : i32
    %c0_i32_0 = arith.constant 0 : i32
    %c0_i32_1 = arith.constant 0 : i32
    return %c0_i32, %c0_i32_0 : i32, i32
  }
  func.func @transform_5(%arg0: i32) -> (i32, i32) {
    %c0_i32 = arith.constant 0 : i32
    %c0_i32_0 = arith.constant 0 : i32
    %c0_i32_1 = arith.constant 0 : i32
    return %c0_i32, %c0_i32_0 : i32, i32
  }
  func.func @transform_6(%arg0: i32) -> (i32, i32) {
    %c0_i32 = arith.constant 0 : i32
    %c0_i32_0 = arith.constant 0 : i32
    return %arg0, %c0_i32 : i32, i32
  }
}

module attributes {stable_mosaic.version = 14 : i64} {
  func.func @_final_body(%arg0: i32, %arg1: memref<2000x128xf32, #tpu.memory_space<vmem>>, %arg2: memref<2000x128xf32, #tpu.memory_space<vmem>>, %arg3: memref<2000x128xf32, #tpu.memory_space<vmem>>, %arg4: memref<2000x1xf32, #tpu.memory_space<vmem>>, %arg5: memref<1x128xf32, #tpu.memory_space<vmem>>, %arg6: memref<2000x128xf32, #tpu.memory_space<vmem>>) attributes {dimension_semantics = [#tpu.dimension_semantics<arbitrary>], iteration_bounds = array<i64: 5>, scalar_prefetch = 0 : i64, scratch_operands = 0 : i64, tpu.core_type = #tpu.core_type<tc>, window_params = [{transform_indices = @transform_0, window_bounds = array<i64: 2000, 128>}, {transform_indices = @transform_1, window_bounds = array<i64: 2000, 128>}, {transform_indices = @transform_2, window_bounds = array<i64: 2000, 128>}, {transform_indices = @transform_3, window_bounds = array<i64: 2000, 1>}, {pipeline_mode = #tpu.pipeline_mode<synchronous>, transform_indices = @transform_4, window_bounds = array<i64: 1, 128>}, {transform_indices = @transform_5, window_bounds = array<i64: 2000, 128>}]} {
    %get3A = arith.constant 0 : index
    %get3A_0 = arith.constant 0 : index
    %get3A_1 = vector.load %arg1[%get3A, %get3A_0] : memref<2000x128xf32, #tpu.memory_space<vmem>>, vector<2000x128xf32>
    %get3A_2 = arith.constant 0 : index
    %get3A_3 = arith.constant 0 : index
    %get3A_4 = vector.load %arg2[%get3A_2, %get3A_3] : memref<2000x128xf32, #tpu.memory_space<vmem>>, vector<2000x128xf32>
    %add3A = arith.addf %get3A_1, %get3A_4 : vector<2000x128xf32>
    %get3A_5 = arith.constant 0 : index
    %get3A_6 = arith.constant 0 : index
    %get3A_7 = vector.load %arg3[%get3A_5, %get3A_6] : memref<2000x128xf32, #tpu.memory_space<vmem>>, vector<2000x128xf32>
    %add3A_8 = arith.addf %add3A, %get3A_7 : vector<2000x128xf32>
    %get3A_9 = arith.constant 0 : index
    %get3A_10 = arith.constant 0 : index
    %get3A_11 = vector.load %arg4[%get3A_9, %get3A_10] : memref<2000x1xf32, #tpu.memory_space<vmem>>, vector<2000x1xf32>
    %mul3A = vector.broadcast %get3A_11 : vector<2000x1xf32> to vector<2000x128xf32>
    %mul3A_12 = arith.mulf %add3A_8, %mul3A : vector<2000x128xf32>
    %get3A_13 = arith.constant 0 : index
    %get3A_14 = arith.constant 0 : index
    %get3A_15 = vector.load %arg5[%get3A_13, %get3A_14] : memref<1x128xf32, #tpu.memory_space<vmem>>, vector<1x128xf32>
    %add3A_16 = vector.broadcast %get3A_15 : vector<1x128xf32> to vector<2000x128xf32>
    %add3A_17 = arith.addf %mul3A_12, %add3A_16 : vector<2000x128xf32>
    %swap3A = arith.constant 0 : index
    %swap3A_18 = arith.constant 0 : index
    %swap3A_19 = vector.load %arg6[%swap3A, %swap3A_18] : memref<2000x128xf32, #tpu.memory_space<vmem>>, vector<2000x128xf32>
    tpu.vector_store %arg6[%swap3A, %swap3A_18], %add3A_17 {strides = array<i32>} : memref<2000x128xf32, #tpu.memory_space<vmem>>, vector<2000x128xf32>,
    return
  }
  func.func @transform_0(%arg0: i32) -> (i32, i32) {
    %c0_i32 = arith.constant 0 : i32
    %c0_i32_0 = arith.constant 0 : i32
    return %arg0, %c0_i32 : i32, i32
  }
  func.func @transform_1(%arg0: i32) -> (i32, i32) {
    %c0_i32 = arith.constant 0 : i32
    %c0_i32_0 = arith.constant 0 : i32
    return %arg0, %c0_i32 : i32, i32
  }
  func.func @transform_2(%arg0: i32) -> (i32, i32) {
    %c0_i32 = arith.constant 0 : i32
    %c0_i32_0 = arith.constant 0 : i32
    return %arg0, %c0_i32 : i32, i32
  }
  func.func @transform_3(%arg0: i32) -> (i32, i32) {
    %c0_i32 = arith.constant 0 : i32
    %c0_i32_0 = arith.constant 0 : i32
    return %arg0, %c0_i32 : i32, i32
  }
  func.func @transform_4(%arg0: i32) -> (i32, i32) {
    %c0_i32 = arith.constant 0 : i32
    %c0_i32_0 = arith.constant 0 : i32
    %c0_i32_1 = arith.constant 0 : i32
    return %c0_i32, %c0_i32_0 : i32, i32
  }
  func.func @transform_5(%arg0: i32) -> (i32, i32) {
    %c0_i32 = arith.constant 0 : i32
    %c0_i32_0 = arith.constant 0 : i32
    return %arg0, %c0_i32 : i32, i32
  }
}

</mosaic_0001>

<sc_bundles>
// kernel: kernel.12.cloned.1.call-start
scs
__scs_entry_jumppad:
0x0: {  	(pc) =	sbr.rel $0x88, $3  }
0x1: {  	(tag) =	ssettag $0x0;
	lr =	simm.s32 $0x1  }
0x2: {  	[smem:$0x3F9B] =	sst lr;
	_ =	strace $0xD0000000  }
0x3: {  	_ = 	snop  }
0x4: {  	_ = 	snop  }
0x5: {  	_ = 	snop  }
0x6: {  	_ = 	snop  }
0x7: {  	_ = 	snop  }
__scs_overlays_trampoline_lowered:
0x8: {  	[smem:$0x3FAA] =	sst s0  }
0x9: {  	[smem:$0x3FAB] =	sst s1  }
0xa: {  	[smem:$0x3FAC] =	sst s2  }
0xb: {  	[smem:$0x3FAD] =	sst s3  }
0xc: {  	[smem:$0x3FAE] =	sst s4  }
0xd: {  	[smem:$0x3FAF] =	sst s5  }
0xe: {  	[smem:$0x3FB0] =	sst s6  }
0xf: {  	[smem:$0x3FB1] =	sst s7  }
0x10: {  	[smem:$0x3FB2] =	sst s8  }
0x11: {  	[smem:$0x3FB3] =	sst s9;
	s0 =	simm.s32 @!p0 $0x0  }
0x12: {  	s1 =	sld [smem:$0x3F99];
	s0 =	simm.s32 @p0 $0x1  }
0x13: {  	[smem:$0x3FB4] =	sst s0;
	s0 =	simm.s32 @!p1 $0x0  }
0x14: {  	s2 =	sld [smem:$0x3F98];
	s0 =	simm.s32 @p1 $0x1  }
0x15: {  	[smem:$0x3FB5] =	sst s0;
	s0 =	simm.s32 @!p2 $0x0  }
0x16: {  	s3 =	sld [smem:$0x3FDB];
	s0 =	simm.s32 @p2 $0x1  }
0x17: {  	s4 =	simm.s32 $0x1BF5;
	[smem:$0x3FB7] =	sst s0  }
0x18: {  	s0 =	sld [smem:$0x3F9A];
	_ =	swait.ge [sflag:s4], $0x0  }
0x19: {  	s7 =	sld [smem:$0x3F9B]  }
0x1a: {  	s8 =	sadd.s32 $0xFFFFE003, lr  }
0x1b: {  	s9 =	sadd.s32 $0xFFFFFEF7, lr;
	s5 =	simm.s32 $0xFFFFFFFF;
	p2 =	slt.u32 s8, $0xFFFFF086  }
0x1c: {  	p1 =	slt.u32 s9, $0xF7A;
	s5 =	simm.s32 @!p2 $0x0  }
0x1d: {  	s5 =	simm.s32 @p1 $0x1;
	p0 =	seq.s32 s7, s2  }
0x1e: {  	s7 =	smul.u32 @!p0 $0xF7A, s2;
	p2 =	seq.s32 @!p0 s5, $0x0  }
0x1f: {  	s9 =	smul.u32 $0xF7A, s1;
	s8 =	simm.s32 @!p0 $0x1BF5;
	p2 =	por !p2, p0  }
0x20: {  	[sflag:s8] =	ssyncset.s32 @!p0 $0xFFFFF086;
	s6 =	sadd.s32 @!p0 s3, s7;
	s7 =	simm.s32 @!p0 $0x108  }
0x21: {  	s3 =	sadd.s32 s3, s9;
	s6 =	sadd.s32 @!p0 $0x88, s6;
	s7 =	simm.s32 @p2 $0x1082  }
0x22: {  	[simem:s7], [sflag:s8] =	dma.local @!p0 [hbm:s6], $0xF7A  }
0x23: {  	s9 =	sor.u32 $0xD0000000, s2;
	s6 =	simm.s32 $0x108;
	_ =	swait.ge @!p0 [sflag:s8], $0x0  }
0x24: {  	s3 =	sadd.s32 $0x88, s3;
	s6 =	simm.s32 @!p1 $0x1082;
	[sflag:s4] =	ssyncset.s32 $0xFFFFF086  }
0x25: {  	[simem:s6], [sflag:s4] =	dma.local [hbm:s3], $0xF7A  }
0x26: {  	[smem:$0x3F9B] =	sst s1;
	(tag) =	ssettag s2;
	_ =	strace s9  }
0x27: {  	s1 =	sld [smem:$0x3FAB]  }
0x28: {  	s2 =	sld [smem:$0x3FAC]  }
0x29: {  	s4 =	sld [smem:$0x3FAE]  }
0x2a: {  	p0 =	seq.s32 s5, $0x0;
	s5 =	sld [smem:$0x3FAF]  }
0x2b: {  	s6 =	sld [smem:$0x3FB0]  }
0x2c: {  	s7 =	sld [smem:$0x3FB1]  }
0x2d: {  	s3 =	simm.s32 $0x108;
	s8 =	sld [smem:$0x3FB2]  }
0x2e: {  	s3 =	simm.s32 @!p0 $0x1082;
	s9 =	sld [smem:$0x3FB3]  }
0x2f: {  	lr =	sadd.s32 s0, s3;
	s0 =	sld [smem:$0x3FAA]  }
0x30: {  	s3 =	sld [smem:$0x3FAD]  }
0x31: {  	[smem:$0x3FB6] =	sst s10  }
0x32: {  	s10 =	sld [smem:$0x3FB4];
	_ =	sdelay $0x3  }
0x33: {  	p0 =	seq.s32 s10, $0x1;
	s10 =	sld [smem:$0x3FB6];
	_ =	sdelay $0x3  }
0x34: {  	[smem:$0x3FB6] =	sst s10  }
0x35: {  	s10 =	sld [smem:$0x3FB5];
	_ =	sdelay $0x3  }
0x36: {  	p1 =	seq.s32 s10, $0x1;
	s10 =	sld [smem:$0x3FB6];
	_ =	sdelay $0x3  }
0x37: {  	[smem:$0x3FB6] =	sst s10  }
0x38: {  	s10 =	sld [smem:$0x3FB7]  }
0x39: {  	_ = 	snop;
	(pc) =	sbr.ind lr, $3  }
0x3a: {  	_ = 	snop  }
0x3b: {  	_ = 	snop  }
0x3c: {  	p2 =	seq.s32 s10, $0x1;
	s10 =	sld [smem:$0x3FB6]  }
0x3d: {  	_ =	shalt  }
0x3e: {  	_ =	shalt  }
0x3f: {  	_ =	shalt  }
0x40: {  	_ =	shalt  }
0x41: {  	_ =	shalt  }
0x42: {  	_ =	shalt  }
0x43: {  	_ =	shalt  }
0x44: {  	_ =	shalt  }
0x45: {  	_ =	shalt  }
0x46: {  	_ =	shalt  }
0x47: {  	_ =	shalt  }
0x48: {  	_ =	shalt  }
0x49: {  	_ =	shalt  }
0x4a: {  	_ =	shalt  }
0x4b: {  	_ =	shalt  }
0x4c: {  	_ =	shalt  }
0x4d: {  	_ =	shalt  }
0x4e: {  	_ =	shalt  }
0x4f: {  	_ =	shalt  }
0x50: {  	_ =	shalt  }
0x51: {  	_ =	shalt  }
0x52: {  	_ =	shalt  }
0x53: {  	_ =	shalt  }
0x54: {  	_ =	shalt  }
0x55: {  	_ =	shalt  }
0x56: {  	_ =	shalt  }
0x57: {  	_ =	shalt  }
0x58: {  	_ =	shalt  }
0x59: {  	_ =	shalt  }
0x5a: {  	_ =	shalt  }
0x5b: {  	_ =	shalt  }
0x5c: {  	_ =	shalt  }
0x5d: {  	_ =	shalt  }
0x5e: {  	_ =	shalt  }
0x5f: {  	_ =	shalt  }
0x60: {  	_ =	shalt  }
0x61: {  	_ =	shalt  }
0x62: {  	_ =	shalt  }
0x63: {  	_ =	shalt  }
0x64: {  	_ =	shalt  }
0x65: {  	_ =	shalt  }
0x66: {  	_ =	shalt  }
0x67: {  	_ =	shalt  }
0x68: {  	_ =	shalt  }
0x69: {  	_ =	shalt  }
0x6a: {  	_ =	shalt  }
0x6b: {  	_ =	shalt  }
0x6c: {  	_ =	shalt  }
0x6d: {  	_ =	shalt  }
0x6e: {  	_ =	shalt  }
0x6f: {  	_ =	shalt  }
0x70: {  	_ =	shalt  }
0x71: {  	_ =	shalt  }
0x72: {  	_ =	shalt  }
0x73: {  	_ =	shalt  }
0x74: {  	_ =	shalt  }
0x75: {  	_ =	shalt  }
0x76: {  	_ =	shalt  }
0x77: {  	_ =	shalt  }
0x78: {  	_ =	shalt  }
0x79: {  	_ =	shalt  }
0x7a: {  	_ =	shalt  }
0x7b: {  	_ =	shalt  }
0x7c: {  	_ =	shalt  }
0x7d: {  	_ =	shalt  }
0x7e: {  	_ =	shalt  }
0x7f: {  	_ =	shalt  }
0x80: {  	_ =	shalt  }
0x81: {  	_ =	shalt  }
0x82: {  	_ =	shalt  }
0x83: {  	_ =	shalt  }
0x84: {  	_ =	shalt  }
0x85: {  	_ =	shalt  }
0x86: {  	_ =	shalt  }
0x87: {  	_ =	shalt  }
.Lfunc_end0:
.L_simem_size_0:
called_computation.1_lowered:
.L_overlay_start_0:
0x88: {  	s2 =	sld [smem:$0x3FD9]  }
0x89: {  	s3 =	sld [smem:$0x3FFE];
	_ =	sdelay $0x1  }
0x8a: {  	s1 =	srdreg.scid  }
0x8b: {  	s0 =	sand.u32 $0x1, s1  }
0x8c: {  	s17 =	sshll.u32 s0, $0xA;
	s2 =	sadd.s32 s3, s2  }
0x8d: {  	s2 =	sadd.s32 s2, s17  }
0x8e: {  	[smem:$0x3FC2] =	sst s2  }
0x8f: {  	_ = 	snop  }
0x90: {  	s2 =	sld [smem:$0x3FD0];
	(tm) =	ssettm $0x1  }
0x91: {  	s18 =	sld [smem:$0x3FFB];
	_ =	sdelay $0x3  }
0x92: {  	_ =	strace s18  }
0x93: {  	s3 =	sld [smem:$0x3FFC];
	_ =	sdelay $0x3  }
0x94: {  	_ =	strace s3  }
0x95: {  	s3 =	sld [smem:$0x3FFD];
	_ =	sdelay $0x3  }
0x96: {  	_ =	strace s3  }
0x97: {  	_ =	strace $0x8FFFFFFF  }
0x98: {  	s19 =	sld [smem:$0x3FDB];
	_ =	sdelay $0x1  }
0x99: {  	s4 =	simm.s32 $_scs_section_size  }
0x9a: {  	s5 =	simm.s32 $_size__tile_overlayer_lowered;
	s6 =	simm.s32 $_tile_overlayer_lowered  }
0x9b: {  	s22 =	simm.s32 $0x1BFF;
	s21 =	sshll.u32 s6, $0x1;
	s3 =	sadd.s32 s4, s19  }
0x9c: {  	s7 =	simm.s32 $0x0;
	s20 =	sshll.u32 s5, $0x1;
	s5 =	sadd.s32 s21, s3  }
0x9d: {  	[timem:s7], [sflag:s22] =	dma.local [hbm:s5], s20  }
0x9e: {  	_ =	swait.ge [sflag:s22], s20  }
0x9f: {  	s4 =	ssub.s32 $0x0, s20;
	[sflag:s22] =	ssyncset.done $0x0  }
0xa0: {  	[sflag:s22] =	ssyncadd.s32 s4;
	_ =	sdelay $0x1  }
0xa1: {  	s23 =	simm.s32 $0x1B8B  }
0xa2: {  	_ =	swait.ge [sflag:s23], $0x1  }
0xa3: {  	[sflag:s23] =	ssyncset.done $0x0  }
0xa4: {  	s25 =	simm.s32 $0x1B8E;
	s24 =	sld [smem:$0x3FFE];
	[sflag:s23] =	ssyncadd.s32 $0xFFFFFFFF  }
0xa5: {  	s26 =	simm.s32 $execute0_lowered;
	[smem:$0x3FD2] =	sst s25  }
0xa6: {  	s5 =	sshll.u32 s26, $0x1;
	_ =	strace $0x80000049;
	[dreg:$0x1] =	wrdreg $0xFFFFFFFF  }
0xa7: {  	s28 =	simm.s32 $_size_execute0_lowered;
	s3 =	sadd.s32 s3, s5;
	[dreg:$0x0] =	wrdreg $0x0  }
0xa8: {  	s5 =	sshll.u32 s28, $0x1;
	[dreg:$0x2] =	wrdreg s3  }
0xa9: {  	[dreg:$0x3] =	wrdreg s5  }
0xaa: {  	[dreg:$0x4] =	wrdreg $0xC0  }
0xab: {  	_ =	task [dreg:s7], $0x5FFFF  }
0xac: {  	[dreg:$0x1] =	wrdreg $0xFFFFFFFF  }
0xad: {  	[dreg:$0x0] =	wrdreg $0x60  }
0xae: {  	[dreg:$0x2] =	wrdreg s2  }
0xaf: {  	[dreg:$0x3] =	wrdreg s24  }
0xb0: {  	[dreg:$0x4] =	wrdreg $0x90000  }
0xb1: {  	[dreg:$0x5] =	wrdreg $0x9  }
0xb2: {  	_ =	task.clear_ibuf [dreg:s7], $0x6FFFF;
	_ =	strace $0x90000049  }
0xb3: {  	s29 =	simm.s32 $0x9;
	_ =	strace $0x8000004B  }
0xb4: {  	_ =	swait.ge [sflag:s29], $0x1  }
0xb5: {  	[sflag:s29] =	ssyncadd.s32 $0xFFFFFFFF  }
0xb6: {  	_ =	strace $0x9000004B  }
0xb7: {  	_ =	sfence  }
0xb8: {  	s30 =	sld [smem:$0x0];
	_ =	sdelay $0x2  }
0xb9: {  	s31 =	sshll.u32 s1, $0xD;
	s1 =	sshrl.u32 s1, $0x2  }
0xba: {  	s3 =	sand.u32 $0x4000, s31;
	s1 =	sadd.s32 s1, s30  }
0xbb: {  	s0 =	sor.u32 s3, s0;
	s1 =	sshll.u32 s1, $0x11  }
0xbc: {  	s0 =	sor.u32 s1, s0  }
0xbd: {  	s0 =	sadd.s32 $0x8F2B, s0  }
0xbe: {  	[sflag:s0] =	ssyncadd.remote.s32 $0x1  }
0xbf: {  	_ =	sfence.sel $0xFFFF  }
0xc0: {  	[dreg:$0x0] =	wrdreg $0xFFFFFFFF;
	(pc) =	sbr.abs _section_cstart, $3  }
0xc1: {  	[dreg:$0x1] =	wrdreg $0xFFFFFFFF  }
0xc2: {  	_ =	task.clear_ibuf [dreg:s7], $0x2FFFF;
	_ =	strace $0x9FFFFFFF  }
0xc3: {  	(tm) =	ssettm $0x7FFFFFFF  }
tec
execute0_lowered:
.L_overlay_start_1:
0x0: {  	(tag) =	ssettag $0x1  }
0x1: {  	s1 =	rddreg [dreg:$0x0]  }
0x2: {  	s2 =	srdreg.scid;
	s6 =	rddreg [dreg:$0x1]  }
0x3: {  	s0 =	stileid.u32;
	s3 =	rddreg [dreg:$0x2];
	s4 =	simm.s32 $0x0  }
0x4: {  	s13 =	simm.s32 $0x5000;
	s14 =	simm.s32 $0x1;
	s15 =	simm.s32 $0x2800  }
0x5: {  	s16 =	simm.s32 $0x80;
	s5 =	sand.u32 $0x1, s2;
	s9 =	smul.u32 $0x50000, s0  }
0x6: {  	s30 =	sshll.u32 s0, $0x1;
	[smem:$0x7FF] =	sst s4;
	s18 =	smul.u32 $0x2800, s0  }
0x7: {  	s19 =	sshll.u32 s0, $0x6;
	s2 =	sor.u32 s5, s30;
	s8 =	smul.u32 $0x28000, s5  }
0x8: {  	s5 =	ssub.s32 $0x2, s5;
	s7 =	smul.u32 $0x500, s2;
	s2 =	rddreg [dreg:$0x3]  }
0x9: {  	_ =	strace $0x8000004A;
	s10 =	sshrl.u32 s5, $0x1;
	s31 =	sshrl.u32 s9, $0x2  }
0xa: {  	s8 =	sadd.s32 s8, s6;
	s10 =	ssub.s32 s5, s10;
	s5 =	sadd.s32 s31, s3  }
0xb: {  	s7 =	sadd.s32 s7, s6;
	s17 =	sadd.s32 $0x67000, s8;
	s8 =	smax.u32 s10, $0x1  }
0xc: {  	s9 =	sadd.s32 $0x4000, s5;
	s10 =	sadd.s32 $0x8000, s5;
	s11 =	sadd.s32 $0xC000, s5  }
0xd: {  	s12 =	sadd.s32 $0x10000, s5;
	s6 =	sadd.s32 $0x5D000, s7;
	s7 =	sadd.s32 $0x3000, s7  }
0xe: {  	v0 =	vimm.f32 $0.0e+00;
	s17 =	sadd.s32 s18, s17;
	s18 =	sor.u32 $0x1C01, s19;
	s19 =	sshrl.u32 s5, $0x3  }
.LBB2_1:
0xf: {  	s20 =	simm.s32 $0x0;
	s21 =	simm.s32 $0x200  }
.LBB2_2:
0x10: {  	p0 =	sne.s32 s21, $0xFE00;
	[tilespmem:s20+$0x5070] =	vst v0  }
0x11: {  	[tilespmem:s20+$0x5000] =	vst v0  }
0x12: {  	[tilespmem:s20+$0x5010] =	vst v0  }
.Ltmp0:
0x13: {  	[tilespmem:s20+$0x5020] =	vst v0;
	(pc) =	sbr.rel @p0 .LBB2_2-.Ltmp0, $4  }
0x14: {  	[tilespmem:s20+$0x5030] =	vst v0  }
0x15: {  	[tilespmem:s20+$0x5040] =	vst v0  }
0x16: {  	[tilespmem:s20+$0x5050] =	vst v0  }
0x17: {  	[tilespmem:s20+$0x5060] =	vst v0;
	s20 =	sshra.s32 s21, $0x2;
	s21 =	sadd.s32 $0x200, s21  }
0x18: {  	[tilespmem:s20+$0x5070] =	vst v0  }
0x19: {  	[tilespmem:s20+$0x5000] =	vst v0  }
0x1a: {  	[tilespmem:s20+$0x5010] =	vst v0  }
0x1b: {  	[tilespmem:s20+$0x5020] =	vst v0  }
0x1c: {  	[tilespmem:s20+$0x5030] =	vst v0  }
0x1d: {  	[tilespmem:s20+$0x5040] =	vst v0  }
0x1e: {  	[tilespmem:s20+$0x5050] =	vst v0  }
0x1f: {  	[tilespmem:s20+$0x5060] =	vst v0  }
0x20: {  	[spmem:s5] =	stream.linear.scatter [tilespmem:s13], [sflag:$0x1], $0x4000, $0x38;
	[tilespmem:$0x1D000] =	vst v63  }
0x21: {  	_ =	swait.ge [sflag:s14], $0x4000  }
0x22: {  	[sflag:s14] =	ssyncset.done $0x0  }
0x23: {  	[sflag:s14] =	ssyncadd.s32 $0xFFFFC000  }
0x24: {  	[spmem:s9] =	stream.linear.scatter [tilespmem:s13], [sflag:$0x1], $0x4000, $0x38;
	[tilespmem:$0x1D000] =	vst v63  }
0x25: {  	_ =	swait.ge [sflag:s14], $0x4000  }
0x26: {  	[sflag:s14] =	ssyncset.done $0x0  }
0x27: {  	[sflag:s14] =	ssyncadd.s32 $0xFFFFC000  }
0x28: {  	[spmem:s10] =	stream.linear.scatter [tilespmem:s13], [sflag:$0x1], $0x4000, $0x38;
	[tilespmem:$0x1D000] =	vst v63  }
0x29: {  	_ =	swait.ge [sflag:s14], $0x4000  }
0x2a: {  	[sflag:s14] =	ssyncset.done $0x0  }
0x2b: {  	[sflag:s14] =	ssyncadd.s32 $0xFFFFC000  }
0x2c: {  	[spmem:s11] =	stream.linear.scatter [tilespmem:s13], [sflag:$0x1], $0x4000, $0x38;
	[tilespmem:$0x1D000] =	vst v63  }
0x2d: {  	_ =	swait.ge [sflag:s14], $0x4000  }
0x2e: {  	[sflag:s14] =	ssyncset.done $0x0  }
0x2f: {  	[sflag:s14] =	ssyncadd.s32 $0xFFFFC000  }
0x30: {  	[spmem:s12] =	stream.linear.scatter [tilespmem:s13], [sflag:$0x1], $0x4000, $0x38;
	[tilespmem:$0x1D000] =	vst v63  }
0x31: {  	_ =	swait.ge [sflag:s14], $0x4000  }
0x32: {  	[sflag:s14] =	ssyncset.done $0x0  }
0x33: {  	s29 =	simm.s32 $0x0;
	[sflag:s14] =	ssyncadd.s32 $0xFFFFC000  }
0x34: {  	[tilespmem:s29], [sflag:$0x1] =	stream.linear.gather [hbm4b:s6+s29], $0x2780, $0x38;
	[tilespmem:$0x1D000] =	vst v63  }
0x35: {  	_ =	swait.ge [sflag:s14], $0x2780  }
0x36: {  	[sflag:s14] =	ssyncset.done $0x0  }
0x37: {  	[sflag:s14] =	ssyncadd.s32 $0xFFFFD880  }
0x38: {  	[tilespmem:s15], [sflag:$0x1] =	stream.linear.gather [hbm4b:s7+s29], $0x2780, $0x38;
	[tilespmem:$0x1D000] =	vst v63  }
0x39: {  	_ =	swait.ge [sflag:s14], $0x2780  }
0x3a: {  	[sflag:s14] =	ssyncset.done $0x0  }
0x3b: {  	[sflag:s14] =	ssyncadd.s32 $0xFFFFD880  }
0x3c: {  	s30 =	simm.s32 $0x0;
	[bflag:$0x0] =	sbarrier.arrive $0xFFFF  }
0x3d: {  	[tilespmem:s13], [sflag:$0x1] =	stream.indirect.gather [hbm4b:s1+s16], $0x80, s30, s16, $0xb8;
	[tilespmem:$0x1D000] =	vst v63  }
0x3e: {  	_ =	swait.ge [sflag:s14], $0x4000  }
0x3f: {  	[sflag:s14] =	ssyncset.done $0x0  }
0x40: {  	s31 =	simm.s32 $0x2800;
	[sflag:s14] =	ssyncadd.s32 $0xFFFFC000  }
0x41: {  	[spmem:s3] =	stream.indirect.scatter.add.f32 [tilespmem:s13], [sflag:$0x1], $0x80, s31, s16, $0xb8;
	[tilespmem:$0x1D000] =	vst v63  }
0x42: {  	_ =	swait.ge [sflag:s14], $0x4000  }
0x43: {  	s20 =	simm.s32 $0x200;
	s21 =	simm.s32 $0x400;
	[sflag:s14] =	ssyncset.done $0x0  }
.LBB2_4:
0x44: {  	s22 =	sshra.s32 s20, $0x2  }
0x45: {  	[sflag:s14] =	ssyncadd.s32 $0xFFFFC000;
	s20 =	smov.u32 s21;
	s23 =	sadd.s32 $0x200, s21  }
0x46: {  	[tilespmem:s13], [sflag:$0x1] =	stream.indirect.gather [hbm4b:s1+s16], $0x80, s22, s16, $0xb8;
	[tilespmem:$0x1D000] =	vst v63  }
0x47: {  	p0 =	sne.s32 s21, $0x9C00;
	_ =	swait.ge [sflag:s14], $0x4000  }
.Ltmp1:
0x48: {  	[sflag:s14] =	ssyncset.done $0x0;
	(pc) =	sbr.rel @p0 .LBB2_4-.Ltmp1, $4  }
0x49: {  	s21 =	sadd.s32 $0x2800, s22;
	[sflag:s14] =	ssyncadd.s32 $0xFFFFC000  }
0x4a: {  	[spmem:s3] =	stream.indirect.scatter.add.f32 [tilespmem:s13], [sflag:$0x1], $0x80, s21, s16, $0xb8;
	[tilespmem:$0x1D000] =	vst v63  }
0x4b: {  	_ =	swait.ge [sflag:s14], $0x4000  }
0x4c: {  	s21 =	smov.u32 s23;
	[sflag:s14] =	ssyncset.done $0x0  }
0x4d: {  	s20 =	sshra.s32 s20, $0x2;
	[sflag:s14] =	ssyncadd.s32 $0xFFFFC000  }
0x4e: {  	[tilespmem:s13], [sflag:$0x1] =	stream.indirect.gather [hbm4b:s1+s16], $0x80, s20, s16, $0xb8;
	[tilespmem:$0x1D000] =	vst v63  }
0x4f: {  	_ =	swait.ge [sflag:s14], $0x4000  }
0x50: {  	[sflag:s14] =	ssyncset.done $0x0  }
0x51: {  	s20 =	sadd.s32 $0x2800, s20;
	[sflag:s14] =	ssyncadd.s32 $0xFFFFC000  }
0x52: {  	[spmem:s3] =	stream.indirect.scatter.add.f32 [tilespmem:s13], [sflag:$0x1], $0x80, s20, s16, $0xb8;
	[tilespmem:$0x1D000] =	vst v63  }
0x53: {  	_ =	swait.ge [sflag:s14], $0x4000  }
0x54: {  	s4 =	sadd.s32 $0x1, s4;
	[sflag:s14] =	ssyncset.done $0x0  }
0x55: {  	p0 =	sne.s32 s4, s8;
	[sflag:s14] =	ssyncadd.s32 $0xFFFFC000  }
.Ltmp2:
0x56: {  	[bflag:$0x0] =	sbarrier.arrive $0xFFFF;
	(pc) =	sbr.rel @p0 .LBB2_1-.Ltmp2, $4  }
0x57: {  	[hbm:s17], [sflag:s18] =	dma.local [spmem:s19], $0x2800  }
0x58: {  	_ =	swait.ge [sflag:s14], $0x2800  }
0x59: {  	[sflag:s14] =	ssyncset.done $0x0  }
0x5a: {  	[sflag:s14] =	ssyncadd.s32 $0xFFFFD800  }
0x5b: {  	_ =	sfence.sel $0x180000  }
0x5c: {  	[bflag:$0x0] =	sbarrier.arrive $0xFFFF  }
0x5d: {  	p0 =	sne.s32 s0, $0x0;
	_ =	strace $0x9000004A  }
0x5e: {  	s0 =	sadd.s32 @!p0 $0x100000, s2;
	[bflag:$0x2] =	sbarrier.arrive $0xFFFF  }
0x5f: {  	[sflag:s0] =	ssyncadd.tile.s32 @!p0 $0x1;
	_ =	shalt  }
.Lfunc_end2:
_tile_overlayer_lowered:
.L_overlay_start_2:
0x60: {  	(tag) =	ssettag $0x2  }
0x61: {  	s0 =	rddreg [dreg:$0x0];
	s2 =	stileid.u32  }
0x62: {  	s1 =	rddreg [dreg:$0x1];
	p0 =	sne.s32 s2, $0x0  }
0x63: {  	s3 =	rddreg [dreg:$0x2];
	[bflag:$0x3] =	sbarrier.arrive $0xFFFF;
	s2 =	simm.s32 @!p0 $0x1C01  }
0x64: {  	[timem:s3], [sflag:s2] =	dma.local @!p0 [hbm:s0], s1  }
0x65: {  	s0 =	simm.s32 @!p0 $0x1  }
0x66: {  	_ =	swait.ge @!p0 [sflag:s0], s1  }
0x67: {  	s1 =	ssub.s32 @!p0 $0x0, s1;
	[sflag:s0] =	ssyncset.done @!p0 $0x0  }
0x68: {  	[sflag:s0] =	ssyncadd.s32 @!p0 s1  }
0x69: {  	[bflag:$0x3] =	sbarrier.arrive $0xFFFF  }
0x6a: {  	_ =	shalt  }

// kernel: kernel.15.cloned.1.call-start
scs
__scs_entry_jumppad:
0x0: {  	(pc) =	sbr.rel $0x88, $3  }
0x1: {  	(tag) =	ssettag $0x0;
	lr =	simm.s32 $0x1  }
0x2: {  	[smem:$0x3F9B] =	sst lr;
	_ =	strace $0xD0000000  }
0x3: {  	_ = 	snop  }
0x4: {  	_ = 	snop  }
0x5: {  	_ = 	snop  }
0x6: {  	_ = 	snop  }
0x7: {  	_ = 	snop  }
__scs_overlays_trampoline_lowered:
0x8: {  	[smem:$0x3FAA] =	sst s0  }
0x9: {  	[smem:$0x3FAB] =	sst s1  }
0xa: {  	[smem:$0x3FAC] =	sst s2  }
0xb: {  	[smem:$0x3FAD] =	sst s3  }
0xc: {  	[smem:$0x3FAE] =	sst s4  }
0xd: {  	[smem:$0x3FAF] =	sst s5  }
0xe: {  	[smem:$0x3FB0] =	sst s6  }
0xf: {  	[smem:$0x3FB1] =	sst s7  }
0x10: {  	[smem:$0x3FB2] =	sst s8  }
0x11: {  	[smem:$0x3FB3] =	sst s9;
	s0 =	simm.s32 @!p0 $0x0  }
0x12: {  	s1 =	sld [smem:$0x3F99];
	s0 =	simm.s32 @p0 $0x1  }
0x13: {  	[smem:$0x3FB4] =	sst s0;
	s0 =	simm.s32 @!p1 $0x0  }
0x14: {  	s2 =	sld [smem:$0x3F98];
	s0 =	simm.s32 @p1 $0x1  }
0x15: {  	[smem:$0x3FB5] =	sst s0;
	s0 =	simm.s32 @!p2 $0x0  }
0x16: {  	s3 =	sld [smem:$0x3FDB];
	s0 =	simm.s32 @p2 $0x1  }
0x17: {  	s4 =	simm.s32 $0x1BF5;
	[smem:$0x3FB7] =	sst s0  }
0x18: {  	s0 =	sld [smem:$0x3F9A];
	_ =	swait.ge [sflag:s4], $0x0  }
0x19: {  	s7 =	sld [smem:$0x3F9B]  }
0x1a: {  	s8 =	sadd.s32 $0xFFFFE003, lr  }
0x1b: {  	s9 =	sadd.s32 $0xFFFFFEF7, lr;
	s5 =	simm.s32 $0xFFFFFFFF;
	p2 =	slt.u32 s8, $0xFFFFF086  }
0x1c: {  	p1 =	slt.u32 s9, $0xF7A;
	s5 =	simm.s32 @!p2 $0x0  }
0x1d: {  	s5 =	simm.s32 @p1 $0x1;
	p0 =	seq.s32 s7, s2  }
0x1e: {  	s7 =	smul.u32 @!p0 $0xF7A, s2;
	p2 =	seq.s32 @!p0 s5, $0x0  }
0x1f: {  	s9 =	smul.u32 $0xF7A, s1;
	s8 =	simm.s32 @!p0 $0x1BF5;
	p2 =	por !p2, p0  }
0x20: {  	[sflag:s8] =	ssyncset.s32 @!p0 $0xFFFFF086;
	s6 =	sadd.s32 @!p0 s3, s7;
	s7 =	simm.s32 @!p0 $0x108  }
0x21: {  	s3 =	sadd.s32 s3, s9;
	s6 =	sadd.s32 @!p0 $0x88, s6;
	s7 =	simm.s32 @p2 $0x1082  }
0x22: {  	[simem:s7], [sflag:s8] =	dma.local @!p0 [hbm:s6], $0xF7A  }
0x23: {  	s9 =	sor.u32 $0xD0000000, s2;
	s6 =	simm.s32 $0x108;
	_ =	swait.ge @!p0 [sflag:s8], $0x0  }
0x24: {  	s3 =	sadd.s32 $0x88, s3;
	s6 =	simm.s32 @!p1 $0x1082;
	[sflag:s4] =	ssyncset.s32 $0xFFFFF086  }
0x25: {  	[simem:s6], [sflag:s4] =	dma.local [hbm:s3], $0xF7A  }
0x26: {  	[smem:$0x3F9B] =	sst s1;
	(tag) =	ssettag s2;
	_ =	strace s9  }
0x27: {  	s1 =	sld [smem:$0x3FAB]  }
0x28: {  	s2 =	sld [smem:$0x3FAC]  }
0x29: {  	s4 =	sld [smem:$0x3FAE]  }
0x2a: {  	p0 =	seq.s32 s5, $0x0;
	s5 =	sld [smem:$0x3FAF]  }
0x2b: {  	s6 =	sld [smem:$0x3FB0]  }
0x2c: {  	s7 =	sld [smem:$0x3FB1]  }
0x2d: {  	s3 =	simm.s32 $0x108;
	s8 =	sld [smem:$0x3FB2]  }
0x2e: {  	s3 =	simm.s32 @!p0 $0x1082;
	s9 =	sld [smem:$0x3FB3]  }
0x2f: {  	lr =	sadd.s32 s0, s3;
	s0 =	sld [smem:$0x3FAA]  }
0x30: {  	s3 =	sld [smem:$0x3FAD]  }
0x31: {  	[smem:$0x3FB6] =	sst s10  }
0x32: {  	s10 =	sld [smem:$0x3FB4];
	_ =	sdelay $0x3  }
0x33: {  	p0 =	seq.s32 s10, $0x1;
	s10 =	sld [smem:$0x3FB6];
	_ =	sdelay $0x3  }
0x34: {  	[smem:$0x3FB6] =	sst s10  }
0x35: {  	s10 =	sld [smem:$0x3FB5];
	_ =	sdelay $0x3  }
0x36: {  	p1 =	seq.s32 s10, $0x1;
	s10 =	sld [smem:$0x3FB6];
	_ =	sdelay $0x3  }
0x37: {  	[smem:$0x3FB6] =	sst s10  }
0x38: {  	s10 =	sld [smem:$0x3FB7]  }
0x39: {  	_ = 	snop;
	(pc) =	sbr.ind lr, $3  }
0x3a: {  	_ = 	snop  }
0x3b: {  	_ = 	snop  }
0x3c: {  	p2 =	seq.s32 s10, $0x1;
	s10 =	sld [smem:$0x3FB6]  }
0x3d: {  	_ =	shalt  }
0x3e: {  	_ =	shalt  }
0x3f: {  	_ =	shalt  }
0x40: {  	_ =	shalt  }
0x41: {  	_ =	shalt  }
0x42: {  	_ =	shalt  }
0x43: {  	_ =	shalt  }
0x44: {  	_ =	shalt  }
0x45: {  	_ =	shalt  }
0x46: {  	_ =	shalt  }
0x47: {  	_ =	shalt  }
0x48: {  	_ =	shalt  }
0x49: {  	_ =	shalt  }
0x4a: {  	_ =	shalt  }
0x4b: {  	_ =	shalt  }
0x4c: {  	_ =	shalt  }
0x4d: {  	_ =	shalt  }
0x4e: {  	_ =	shalt  }
0x4f: {  	_ =	shalt  }
0x50: {  	_ =	shalt  }
0x51: {  	_ =	shalt  }
0x52: {  	_ =	shalt  }
0x53: {  	_ =	shalt  }
0x54: {  	_ =	shalt  }
0x55: {  	_ =	shalt  }
0x56: {  	_ =	shalt  }
0x57: {  	_ =	shalt  }
0x58: {  	_ =	shalt  }
0x59: {  	_ =	shalt  }
0x5a: {  	_ =	shalt  }
0x5b: {  	_ =	shalt  }
0x5c: {  	_ =	shalt  }
0x5d: {  	_ =	shalt  }
0x5e: {  	_ =	shalt  }
0x5f: {  	_ =	shalt  }
0x60: {  	_ =	shalt  }
0x61: {  	_ =	shalt  }
0x62: {  	_ =	shalt  }
0x63: {  	_ =	shalt  }
0x64: {  	_ =	shalt  }
0x65: {  	_ =	shalt  }
0x66: {  	_ =	shalt  }
0x67: {  	_ =	shalt  }
0x68: {  	_ =	shalt  }
0x69: {  	_ =	shalt  }
0x6a: {  	_ =	shalt  }
0x6b: {  	_ =	shalt  }
0x6c: {  	_ =	shalt  }
0x6d: {  	_ =	shalt  }
0x6e: {  	_ =	shalt  }
0x6f: {  	_ =	shalt  }
0x70: {  	_ =	shalt  }
0x71: {  	_ =	shalt  }
0x72: {  	_ =	shalt  }
0x73: {  	_ =	shalt  }
0x74: {  	_ =	shalt  }
0x75: {  	_ =	shalt  }
0x76: {  	_ =	shalt  }
0x77: {  	_ =	shalt  }
0x78: {  	_ =	shalt  }
0x79: {  	_ =	shalt  }
0x7a: {  	_ =	shalt  }
0x7b: {  	_ =	shalt  }
0x7c: {  	_ =	shalt  }
0x7d: {  	_ =	shalt  }
0x7e: {  	_ =	shalt  }
0x7f: {  	_ =	shalt  }
0x80: {  	_ =	shalt  }
0x81: {  	_ =	shalt  }
0x82: {  	_ =	shalt  }
0x83: {  	_ =	shalt  }
0x84: {  	_ =	shalt  }
0x85: {  	_ =	shalt  }
0x86: {  	_ =	shalt  }
0x87: {  	_ =	shalt  }
.Lfunc_end0:
.L_simem_size_0:
called_computation.2_lowered:
.L_overlay_start_0:
0x88: {  	s2 =	sld [smem:$0x3FD9]  }
0x89: {  	s3 =	sld [smem:$0x3FFE];
	_ =	sdelay $0x1  }
0x8a: {  	s1 =	srdreg.scid  }
0x8b: {  	s0 =	sand.u32 $0x1, s1  }
0x8c: {  	s17 =	sshll.u32 s0, $0xA;
	s2 =	sadd.s32 s3, s2  }
0x8d: {  	s2 =	sadd.s32 s2, s17  }
0x8e: {  	[smem:$0x3FC2] =	sst s2  }
0x8f: {  	_ = 	snop  }
0x90: {  	s2 =	sld [smem:$0x3FD0];
	(tm) =	ssettm $0x1  }
0x91: {  	s18 =	sld [smem:$0x3FFB];
	_ =	sdelay $0x3  }
0x92: {  	_ =	strace s18  }
0x93: {  	s3 =	sld [smem:$0x3FFC];
	_ =	sdelay $0x3  }
0x94: {  	_ =	strace s3  }
0x95: {  	s3 =	sld [smem:$0x3FFD];
	_ =	sdelay $0x3  }
0x96: {  	_ =	strace s3  }
0x97: {  	_ =	strace $0x8FFFFFFF  }
0x98: {  	s19 =	sld [smem:$0x3FDB];
	_ =	sdelay $0x1  }
0x99: {  	s4 =	simm.s32 $_scs_section_size  }
0x9a: {  	s5 =	simm.s32 $_size__tile_overlayer_lowered;
	s6 =	simm.s32 $_tile_overlayer_lowered  }
0x9b: {  	s22 =	simm.s32 $0x1BFF;
	s21 =	sshll.u32 s6, $0x1;
	s3 =	sadd.s32 s4, s19  }
0x9c: {  	s7 =	simm.s32 $0x0;
	s20 =	sshll.u32 s5, $0x1;
	s5 =	sadd.s32 s21, s3  }
0x9d: {  	[timem:s7], [sflag:s22] =	dma.local [hbm:s5], s20  }
0x9e: {  	_ =	swait.ge [sflag:s22], s20  }
0x9f: {  	s4 =	ssub.s32 $0x0, s20;
	[sflag:s22] =	ssyncset.done $0x0  }
0xa0: {  	[sflag:s22] =	ssyncadd.s32 s4;
	_ =	sdelay $0x1  }
0xa1: {  	s23 =	simm.s32 $0x1B8B  }
0xa2: {  	_ =	swait.ge [sflag:s23], $0x1  }
0xa3: {  	[sflag:s23] =	ssyncset.done $0x0  }
0xa4: {  	s25 =	simm.s32 $0x1B8E;
	s24 =	sld [smem:$0x3FFE];
	[sflag:s23] =	ssyncadd.s32 $0xFFFFFFFF  }
0xa5: {  	s26 =	simm.s32 $execute0_lowered;
	[smem:$0x3FD2] =	sst s25  }
0xa6: {  	s5 =	sshll.u32 s26, $0x1;
	_ =	strace $0x8000004C;
	[dreg:$0x1] =	wrdreg $0xFFFFFFFF  }
0xa7: {  	s28 =	simm.s32 $_size_execute0_lowered;
	s3 =	sadd.s32 s3, s5;
	[dreg:$0x0] =	wrdreg $0x0  }
0xa8: {  	s5 =	sshll.u32 s28, $0x1;
	[dreg:$0x2] =	wrdreg s3  }
0xa9: {  	[dreg:$0x3] =	wrdreg s5  }
0xaa: {  	[dreg:$0x4] =	wrdreg $0xC0  }
0xab: {  	_ =	task [dreg:s7], $0x5FFFF  }
0xac: {  	[dreg:$0x1] =	wrdreg $0xFFFFFFFF  }
0xad: {  	[dreg:$0x0] =	wrdreg $0x60  }
0xae: {  	[dreg:$0x2] =	wrdreg s2  }
0xaf: {  	[dreg:$0x3] =	wrdreg s24  }
0xb0: {  	[dreg:$0x4] =	wrdreg $0x90000  }
0xb1: {  	[dreg:$0x5] =	wrdreg $0x9  }
0xb2: {  	_ =	task.clear_ibuf [dreg:s7], $0x6FFFF;
	_ =	strace $0x9000004C  }
0xb3: {  	s29 =	simm.s32 $0x9;
	_ =	strace $0x8000004E  }
0xb4: {  	_ =	swait.ge [sflag:s29], $0x1  }
0xb5: {  	[sflag:s29] =	ssyncadd.s32 $0xFFFFFFFF  }
0xb6: {  	_ =	strace $0x9000004E  }
0xb7: {  	_ =	sfence  }
0xb8: {  	s30 =	sld [smem:$0x0];
	_ =	sdelay $0x2  }
0xb9: {  	s31 =	sshll.u32 s1, $0xD;
	s1 =	sshrl.u32 s1, $0x2  }
0xba: {  	s3 =	sand.u32 $0x4000, s31;
	s1 =	sadd.s32 s1, s30  }
0xbb: {  	s0 =	sor.u32 s3, s0;
	s1 =	sshll.u32 s1, $0x11  }
0xbc: {  	s0 =	sor.u32 s1, s0  }
0xbd: {  	s0 =	sadd.s32 $0x8F2B, s0  }
0xbe: {  	[sflag:s0] =	ssyncadd.remote.s32 $0x1  }
0xbf: {  	_ =	sfence.sel $0xFFFF  }
0xc0: {  	[dreg:$0x0] =	wrdreg $0xFFFFFFFF;
	(pc) =	sbr.abs _section_cstart, $3  }
0xc1: {  	[dreg:$0x1] =	wrdreg $0xFFFFFFFF  }
0xc2: {  	_ =	task.clear_ibuf [dreg:s7], $0x2FFFF;
	_ =	strace $0x9FFFFFFF  }
0xc3: {  	(tm) =	ssettm $0x7FFFFFFF  }
tec
execute0_lowered:
.L_overlay_start_1:
0x0: {  	(tag) =	ssettag $0x1  }
0x1: {  	s1 =	rddreg [dreg:$0x0]  }
0x2: {  	s2 =	srdreg.scid;
	s6 =	rddreg [dreg:$0x1]  }
0x3: {  	s0 =	stileid.u32;
	s3 =	rddreg [dreg:$0x2];
	s4 =	simm.s32 $0x0  }
0x4: {  	s13 =	simm.s32 $0x5000;
	s14 =	simm.s32 $0x1;
	s15 =	simm.s32 $0x2800  }
0x5: {  	s16 =	simm.s32 $0x80;
	s5 =	sand.u32 $0x1, s2;
	s9 =	smul.u32 $0x50000, s0  }
0x6: {  	s30 =	sshll.u32 s0, $0x1;
	[smem:$0x7FF] =	sst s4;
	s18 =	smul.u32 $0x2800, s0  }
0x7: {  	s19 =	sshll.u32 s0, $0x6;
	s2 =	sor.u32 s5, s30;
	s8 =	smul.u32 $0x28000, s5  }
0x8: {  	s5 =	ssub.s32 $0x2, s5;
	s7 =	smul.u32 $0x500, s2;
	s2 =	rddreg [dreg:$0x3]  }
0x9: {  	_ =	strace $0x8000004D;
	s10 =	sshrl.u32 s5, $0x1;
	s31 =	sshrl.u32 s9, $0x2  }
0xa: {  	s8 =	sadd.s32 s8, s6;
	s10 =	ssub.s32 s5, s10;
	s5 =	sadd.s32 s31, s3  }
0xb: {  	s7 =	sadd.s32 s7, s6;
	s17 =	sadd.s32 $0x67000, s8;
	s8 =	smax.u32 s10, $0x1  }
0xc: {  	s9 =	sadd.s32 $0x4000, s5;
	s10 =	sadd.s32 $0x8000, s5;
	s11 =	sadd.s32 $0xC000, s5  }
0xd: {  	s12 =	sadd.s32 $0x10000, s5;
	s6 =	sadd.s32 $0x5D000, s7;
	s7 =	sadd.s32 $0x3000, s7  }
0xe: {  	v0 =	vimm.f32 $0.0e+00;
	s17 =	sadd.s32 s18, s17;
	s18 =	sor.u32 $0x1C01, s19;
	s19 =	sshrl.u32 s5, $0x3  }
.LBB2_1:
0xf: {  	s20 =	simm.s32 $0x0;
	s21 =	simm.s32 $0x200  }
.LBB2_2:
0x10: {  	p0 =	sne.s32 s21, $0xFE00;
	[tilespmem:s20+$0x5070] =	vst v0  }
0x11: {  	[tilespmem:s20+$0x5000] =	vst v0  }
0x12: {  	[tilespmem:s20+$0x5010] =	vst v0  }
.Ltmp0:
0x13: {  	[tilespmem:s20+$0x5020] =	vst v0;
	(pc) =	sbr.rel @p0 .LBB2_2-.Ltmp0, $4  }
0x14: {  	[tilespmem:s20+$0x5030] =	vst v0  }
0x15: {  	[tilespmem:s20+$0x5040] =	vst v0  }
0x16: {  	[tilespmem:s20+$0x5050] =	vst v0  }
0x17: {  	[tilespmem:s20+$0x5060] =	vst v0;
	s20 =	sshra.s32 s21, $0x2;
	s21 =	sadd.s32 $0x200, s21  }
0x18: {  	[tilespmem:s20+$0x5070] =	vst v0  }
0x19: {  	[tilespmem:s20+$0x5000] =	vst v0  }
0x1a: {  	[tilespmem:s20+$0x5010] =	vst v0  }
0x1b: {  	[tilespmem:s20+$0x5020] =	vst v0  }
0x1c: {  	[tilespmem:s20+$0x5030] =	vst v0  }
0x1d: {  	[tilespmem:s20+$0x5040] =	vst v0  }
0x1e: {  	[tilespmem:s20+$0x5050] =	vst v0  }
0x1f: {  	[tilespmem:s20+$0x5060] =	vst v0  }
0x20: {  	[spmem:s5] =	stream.linear.scatter [tilespmem:s13], [sflag:$0x1], $0x4000, $0x38;
	[tilespmem:$0x1D000] =	vst v63  }
0x21: {  	_ =	swait.ge [sflag:s14], $0x4000  }
0x22: {  	[sflag:s14] =	ssyncset.done $0x0  }
0x23: {  	[sflag:s14] =	ssyncadd.s32 $0xFFFFC000  }
0x24: {  	[spmem:s9] =	stream.linear.scatter [tilespmem:s13], [sflag:$0x1], $0x4000, $0x38;
	[tilespmem:$0x1D000] =	vst v63  }
0x25: {  	_ =	swait.ge [sflag:s14], $0x4000  }
0x26: {  	[sflag:s14] =	ssyncset.done $0x0  }
0x27: {  	[sflag:s14] =	ssyncadd.s32 $0xFFFFC000  }
0x28: {  	[spmem:s10] =	stream.linear.scatter [tilespmem:s13], [sflag:$0x1], $0x4000, $0x38;
	[tilespmem:$0x1D000] =	vst v63  }
0x29: {  	_ =	swait.ge [sflag:s14], $0x4000  }
0x2a: {  	[sflag:s14] =	ssyncset.done $0x0  }
0x2b: {  	[sflag:s14] =	ssyncadd.s32 $0xFFFFC000  }
0x2c: {  	[spmem:s11] =	stream.linear.scatter [tilespmem:s13], [sflag:$0x1], $0x4000, $0x38;
	[tilespmem:$0x1D000] =	vst v63  }
0x2d: {  	_ =	swait.ge [sflag:s14], $0x4000  }
0x2e: {  	[sflag:s14] =	ssyncset.done $0x0  }
0x2f: {  	[sflag:s14] =	ssyncadd.s32 $0xFFFFC000  }
0x30: {  	[spmem:s12] =	stream.linear.scatter [tilespmem:s13], [sflag:$0x1], $0x4000, $0x38;
	[tilespmem:$0x1D000] =	vst v63  }
0x31: {  	_ =	swait.ge [sflag:s14], $0x4000  }
0x32: {  	[sflag:s14] =	ssyncset.done $0x0  }
0x33: {  	s29 =	simm.s32 $0x0;
	[sflag:s14] =	ssyncadd.s32 $0xFFFFC000  }
0x34: {  	[tilespmem:s29], [sflag:$0x1] =	stream.linear.gather [hbm4b:s6+s29], $0x2780, $0x38;
	[tilespmem:$0x1D000] =	vst v63  }
0x35: {  	_ =	swait.ge [sflag:s14], $0x2780  }
0x36: {  	[sflag:s14] =	ssyncset.done $0x0  }
0x37: {  	[sflag:s14] =	ssyncadd.s32 $0xFFFFD880  }
0x38: {  	[tilespmem:s15], [sflag:$0x1] =	stream.linear.gather [hbm4b:s7+s29], $0x2780, $0x38;
	[tilespmem:$0x1D000] =	vst v63  }
0x39: {  	_ =	swait.ge [sflag:s14], $0x2780  }
0x3a: {  	[sflag:s14] =	ssyncset.done $0x0  }
0x3b: {  	[sflag:s14] =	ssyncadd.s32 $0xFFFFD880  }
0x3c: {  	s30 =	simm.s32 $0x0;
	[bflag:$0x0] =	sbarrier.arrive $0xFFFF  }
0x3d: {  	[tilespmem:s13], [sflag:$0x1] =	stream.indirect.gather [hbm4b:s1+s16], $0x80, s30, s16, $0xb8;
	[tilespmem:$0x1D000] =	vst v63  }
0x3e: {  	_ =	swait.ge [sflag:s14], $0x4000  }
0x3f: {  	[sflag:s14] =	ssyncset.done $0x0  }
0x40: {  	s31 =	simm.s32 $0x2800;
	[sflag:s14] =	ssyncadd.s32 $0xFFFFC000  }
0x41: {  	[spmem:s3] =	stream.indirect.scatter.add.f32 [tilespmem:s13], [sflag:$0x1], $0x80, s31, s16, $0xb8;
	[tilespmem:$0x1D000] =	vst v63  }
0x42: {  	_ =	swait.ge [sflag:s14], $0x4000  }
0x43: {  	s20 =	simm.s32 $0x200;
	s21 =	simm.s32 $0x400;
	[sflag:s14] =	ssyncset.done $0x0  }
.LBB2_4:
0x44: {  	s22 =	sshra.s32 s20, $0x2  }
0x45: {  	[sflag:s14] =	ssyncadd.s32 $0xFFFFC000;
	s20 =	smov.u32 s21;
	s23 =	sadd.s32 $0x200, s21  }
0x46: {  	[tilespmem:s13], [sflag:$0x1] =	stream.indirect.gather [hbm4b:s1+s16], $0x80, s22, s16, $0xb8;
	[tilespmem:$0x1D000] =	vst v63  }
0x47: {  	p0 =	sne.s32 s21, $0x9C00;
	_ =	swait.ge [sflag:s14], $0x4000  }
.Ltmp1:
0x48: {  	[sflag:s14] =	ssyncset.done $0x0;
	(pc) =	sbr.rel @p0 .LBB2_4-.Ltmp1, $4  }
0x49: {  	s21 =	sadd.s32 $0x2800, s22;
	[sflag:s14] =	ssyncadd.s32 $0xFFFFC000  }
0x4a: {  	[spmem:s3] =	stream.indirect.scatter.add.f32 [tilespmem:s13], [sflag:$0x1], $0x80, s21, s16, $0xb8;
	[tilespmem:$0x1D000] =	vst v63  }
0x4b: {  	_ =	swait.ge [sflag:s14], $0x4000  }
0x4c: {  	s21 =	smov.u32 s23;
	[sflag:s14] =	ssyncset.done $0x0  }
0x4d: {  	s20 =	sshra.s32 s20, $0x2;
	[sflag:s14] =	ssyncadd.s32 $0xFFFFC000  }
0x4e: {  	[tilespmem:s13], [sflag:$0x1] =	stream.indirect.gather [hbm4b:s1+s16], $0x80, s20, s16, $0xb8;
	[tilespmem:$0x1D000] =	vst v63  }
0x4f: {  	_ =	swait.ge [sflag:s14], $0x4000  }
0x50: {  	[sflag:s14] =	ssyncset.done $0x0  }
0x51: {  	s20 =	sadd.s32 $0x2800, s20;
	[sflag:s14] =	ssyncadd.s32 $0xFFFFC000  }
0x52: {  	[spmem:s3] =	stream.indirect.scatter.add.f32 [tilespmem:s13], [sflag:$0x1], $0x80, s20, s16, $0xb8;
	[tilespmem:$0x1D000] =	vst v63  }
0x53: {  	_ =	swait.ge [sflag:s14], $0x4000  }
0x54: {  	s4 =	sadd.s32 $0x1, s4;
	[sflag:s14] =	ssyncset.done $0x0  }
0x55: {  	p0 =	sne.s32 s4, s8;
	[sflag:s14] =	ssyncadd.s32 $0xFFFFC000  }
.Ltmp2:
0x56: {  	[bflag:$0x0] =	sbarrier.arrive $0xFFFF;
	(pc) =	sbr.rel @p0 .LBB2_1-.Ltmp2, $4  }
0x57: {  	[hbm:s17], [sflag:s18] =	dma.local [spmem:s19], $0x2800  }
0x58: {  	_ =	swait.ge [sflag:s14], $0x2800  }
0x59: {  	[sflag:s14] =	ssyncset.done $0x0  }
0x5a: {  	[sflag:s14] =	ssyncadd.s32 $0xFFFFD800  }
0x5b: {  	_ =	sfence.sel $0x180000  }
0x5c: {  	[bflag:$0x0] =	sbarrier.arrive $0xFFFF  }
0x5d: {  	p0 =	sne.s32 s0, $0x0;
	_ =	strace $0x9000004D  }
0x5e: {  	s0 =	sadd.s32 @!p0 $0x100000, s2;
	[bflag:$0x2] =	sbarrier.arrive $0xFFFF  }
0x5f: {  	[sflag:s0] =	ssyncadd.tile.s32 @!p0 $0x1;
	_ =	shalt  }
.Lfunc_end2:
_tile_overlayer_lowered:
.L_overlay_start_2:
0x60: {  	(tag) =	ssettag $0x2  }
0x61: {  	s0 =	rddreg [dreg:$0x0];
	s2 =	stileid.u32  }
0x62: {  	s1 =	rddreg [dreg:$0x1];
	p0 =	sne.s32 s2, $0x0  }
0x63: {  	s3 =	rddreg [dreg:$0x2];
	[bflag:$0x3] =	sbarrier.arrive $0xFFFF;
	s2 =	simm.s32 @!p0 $0x1C01  }
0x64: {  	[timem:s3], [sflag:s2] =	dma.local @!p0 [hbm:s0], s1  }
0x65: {  	s0 =	simm.s32 @!p0 $0x1  }
0x66: {  	_ =	swait.ge @!p0 [sflag:s0], s1  }
0x67: {  	s1 =	ssub.s32 @!p0 $0x0, s1;
	[sflag:s0] =	ssyncset.done @!p0 $0x0  }
0x68: {  	[sflag:s0] =	ssyncadd.s32 @!p0 s1  }
0x69: {  	[bflag:$0x3] =	sbarrier.arrive $0xFFFF  }
0x6a: {  	_ =	shalt  }

// kernel: kernel.9.cloned.1.call-start
scs
__scs_entry_jumppad:
0x0: {  	(pc) =	sbr.rel $0x88, $3  }
0x1: {  	(tag) =	ssettag $0x0;
	lr =	simm.s32 $0x1  }
0x2: {  	[smem:$0x3F9B] =	sst lr;
	_ =	strace $0xD0000000  }
0x3: {  	_ = 	snop  }
0x4: {  	_ = 	snop  }
0x5: {  	_ = 	snop  }
0x6: {  	_ = 	snop  }
0x7: {  	_ = 	snop  }
__scs_overlays_trampoline_lowered:
0x8: {  	[smem:$0x3FAA] =	sst s0  }
0x9: {  	[smem:$0x3FAB] =	sst s1  }
0xa: {  	[smem:$0x3FAC] =	sst s2  }
0xb: {  	[smem:$0x3FAD] =	sst s3  }
0xc: {  	[smem:$0x3FAE] =	sst s4  }
0xd: {  	[smem:$0x3FAF] =	sst s5  }
0xe: {  	[smem:$0x3FB0] =	sst s6  }
0xf: {  	[smem:$0x3FB1] =	sst s7  }
0x10: {  	[smem:$0x3FB2] =	sst s8  }
0x11: {  	[smem:$0x3FB3] =	sst s9;
	s0 =	simm.s32 @!p0 $0x0  }
0x12: {  	s1 =	sld [smem:$0x3F99];
	s0 =	simm.s32 @p0 $0x1  }
0x13: {  	[smem:$0x3FB4] =	sst s0;
	s0 =	simm.s32 @!p1 $0x0  }
0x14: {  	s2 =	sld [smem:$0x3F98];
	s0 =	simm.s32 @p1 $0x1  }
0x15: {  	[smem:$0x3FB5] =	sst s0;
	s0 =	simm.s32 @!p2 $0x0  }
0x16: {  	s3 =	sld [smem:$0x3FDB];
	s0 =	simm.s32 @p2 $0x1  }
0x17: {  	s4 =	simm.s32 $0x1BF5;
	[smem:$0x3FB7] =	sst s0  }
0x18: {  	s0 =	sld [smem:$0x3F9A];
	_ =	swait.ge [sflag:s4], $0x0  }
0x19: {  	s7 =	sld [smem:$0x3F9B]  }
0x1a: {  	s8 =	sadd.s32 $0xFFFFE003, lr  }
0x1b: {  	s9 =	sadd.s32 $0xFFFFFEF7, lr;
	s5 =	simm.s32 $0xFFFFFFFF;
	p2 =	slt.u32 s8, $0xFFFFF086  }
0x1c: {  	p1 =	slt.u32 s9, $0xF7A;
	s5 =	simm.s32 @!p2 $0x0  }
0x1d: {  	s5 =	simm.s32 @p1 $0x1;
	p0 =	seq.s32 s7, s2  }
0x1e: {  	s7 =	smul.u32 @!p0 $0xF7A, s2;
	p2 =	seq.s32 @!p0 s5, $0x0  }
0x1f: {  	s9 =	smul.u32 $0xF7A, s1;
	s8 =	simm.s32 @!p0 $0x1BF5;
	p2 =	por !p2, p0  }
0x20: {  	[sflag:s8] =	ssyncset.s32 @!p0 $0xFFFFF086;
	s6 =	sadd.s32 @!p0 s3, s7;
	s7 =	simm.s32 @!p0 $0x108  }
0x21: {  	s3 =	sadd.s32 s3, s9;
	s6 =	sadd.s32 @!p0 $0x88, s6;
	s7 =	simm.s32 @p2 $0x1082  }
0x22: {  	[simem:s7], [sflag:s8] =	dma.local @!p0 [hbm:s6], $0xF7A  }
0x23: {  	s9 =	sor.u32 $0xD0000000, s2;
	s6 =	simm.s32 $0x108;
	_ =	swait.ge @!p0 [sflag:s8], $0x0  }
0x24: {  	s3 =	sadd.s32 $0x88, s3;
	s6 =	simm.s32 @!p1 $0x1082;
	[sflag:s4] =	ssyncset.s32 $0xFFFFF086  }
0x25: {  	[simem:s6], [sflag:s4] =	dma.local [hbm:s3], $0xF7A  }
0x26: {  	[smem:$0x3F9B] =	sst s1;
	(tag) =	ssettag s2;
	_ =	strace s9  }
0x27: {  	s1 =	sld [smem:$0x3FAB]  }
0x28: {  	s2 =	sld [smem:$0x3FAC]  }
0x29: {  	s4 =	sld [smem:$0x3FAE]  }
0x2a: {  	p0 =	seq.s32 s5, $0x0;
	s5 =	sld [smem:$0x3FAF]  }
0x2b: {  	s6 =	sld [smem:$0x3FB0]  }
0x2c: {  	s7 =	sld [smem:$0x3FB1]  }
0x2d: {  	s3 =	simm.s32 $0x108;
	s8 =	sld [smem:$0x3FB2]  }
0x2e: {  	s3 =	simm.s32 @!p0 $0x1082;
	s9 =	sld [smem:$0x3FB3]  }
0x2f: {  	lr =	sadd.s32 s0, s3;
	s0 =	sld [smem:$0x3FAA]  }
0x30: {  	s3 =	sld [smem:$0x3FAD]  }
0x31: {  	[smem:$0x3FB6] =	sst s10  }
0x32: {  	s10 =	sld [smem:$0x3FB4];
	_ =	sdelay $0x3  }
0x33: {  	p0 =	seq.s32 s10, $0x1;
	s10 =	sld [smem:$0x3FB6];
	_ =	sdelay $0x3  }
0x34: {  	[smem:$0x3FB6] =	sst s10  }
0x35: {  	s10 =	sld [smem:$0x3FB5];
	_ =	sdelay $0x3  }
0x36: {  	p1 =	seq.s32 s10, $0x1;
	s10 =	sld [smem:$0x3FB6];
	_ =	sdelay $0x3  }
0x37: {  	[smem:$0x3FB6] =	sst s10  }
0x38: {  	s10 =	sld [smem:$0x3FB7]  }
0x39: {  	_ = 	snop;
	(pc) =	sbr.ind lr, $3  }
0x3a: {  	_ = 	snop  }
0x3b: {  	_ = 	snop  }
0x3c: {  	p2 =	seq.s32 s10, $0x1;
	s10 =	sld [smem:$0x3FB6]  }
0x3d: {  	_ =	shalt  }
0x3e: {  	_ =	shalt  }
0x3f: {  	_ =	shalt  }
0x40: {  	_ =	shalt  }
0x41: {  	_ =	shalt  }
0x42: {  	_ =	shalt  }
0x43: {  	_ =	shalt  }
0x44: {  	_ =	shalt  }
0x45: {  	_ =	shalt  }
0x46: {  	_ =	shalt  }
0x47: {  	_ =	shalt  }
0x48: {  	_ =	shalt  }
0x49: {  	_ =	shalt  }
0x4a: {  	_ =	shalt  }
0x4b: {  	_ =	shalt  }
0x4c: {  	_ =	shalt  }
0x4d: {  	_ =	shalt  }
0x4e: {  	_ =	shalt  }
0x4f: {  	_ =	shalt  }
0x50: {  	_ =	shalt  }
0x51: {  	_ =	shalt  }
0x52: {  	_ =	shalt  }
0x53: {  	_ =	shalt  }
0x54: {  	_ =	shalt  }
0x55: {  	_ =	shalt  }
0x56: {  	_ =	shalt  }
0x57: {  	_ =	shalt  }
0x58: {  	_ =	shalt  }
0x59: {  	_ =	shalt  }
0x5a: {  	_ =	shalt  }
0x5b: {  	_ =	shalt  }
0x5c: {  	_ =	shalt  }
0x5d: {  	_ =	shalt  }
0x5e: {  	_ =	shalt  }
0x5f: {  	_ =	shalt  }
0x60: {  	_ =	shalt  }
0x61: {  	_ =	shalt  }
0x62: {  	_ =	shalt  }
0x63: {  	_ =	shalt  }
0x64: {  	_ =	shalt  }
0x65: {  	_ =	shalt  }
0x66: {  	_ =	shalt  }
0x67: {  	_ =	shalt  }
0x68: {  	_ =	shalt  }
0x69: {  	_ =	shalt  }
0x6a: {  	_ =	shalt  }
0x6b: {  	_ =	shalt  }
0x6c: {  	_ =	shalt  }
0x6d: {  	_ =	shalt  }
0x6e: {  	_ =	shalt  }
0x6f: {  	_ =	shalt  }
0x70: {  	_ =	shalt  }
0x71: {  	_ =	shalt  }
0x72: {  	_ =	shalt  }
0x73: {  	_ =	shalt  }
0x74: {  	_ =	shalt  }
0x75: {  	_ =	shalt  }
0x76: {  	_ =	shalt  }
0x77: {  	_ =	shalt  }
0x78: {  	_ =	shalt  }
0x79: {  	_ =	shalt  }
0x7a: {  	_ =	shalt  }
0x7b: {  	_ =	shalt  }
0x7c: {  	_ =	shalt  }
0x7d: {  	_ =	shalt  }
0x7e: {  	_ =	shalt  }
0x7f: {  	_ =	shalt  }
0x80: {  	_ =	shalt  }
0x81: {  	_ =	shalt  }
0x82: {  	_ =	shalt  }
0x83: {  	_ =	shalt  }
0x84: {  	_ =	shalt  }
0x85: {  	_ =	shalt  }
0x86: {  	_ =	shalt  }
0x87: {  	_ =	shalt  }
.Lfunc_end0:
.L_simem_size_0:
called_computation_lowered:
.L_overlay_start_0:
0x88: {  	s2 =	sld [smem:$0x3FD9]  }
0x89: {  	s3 =	sld [smem:$0x3FFE];
	_ =	sdelay $0x1  }
0x8a: {  	s1 =	srdreg.scid  }
0x8b: {  	s0 =	sand.u32 $0x1, s1  }
0x8c: {  	s16 =	sshll.u32 s0, $0xA;
	s2 =	sadd.s32 s3, s2  }
0x8d: {  	s2 =	sadd.s32 s2, s16  }
0x8e: {  	[smem:$0x3FC2] =	sst s2  }
0x8f: {  	_ = 	snop  }
0x90: {  	(tm) =	ssettm $0x1  }
0x91: {  	s17 =	sld [smem:$0x3FFB];
	_ =	sdelay $0x3  }
0x92: {  	_ =	strace s17  }
0x93: {  	s2 =	sld [smem:$0x3FFC];
	_ =	sdelay $0x3  }
0x94: {  	_ =	strace s2  }
0x95: {  	s2 =	sld [smem:$0x3FFD];
	_ =	sdelay $0x3  }
0x96: {  	_ =	strace s2  }
0x97: {  	_ =	strace $0x8FFFFFFF  }
0x98: {  	s18 =	sld [smem:$0x3FDB];
	_ =	sdelay $0x1  }
0x99: {  	s19 =	simm.s32 $_scs_section_size  }
0x9a: {  	s4 =	simm.s32 $_size__tile_overlayer_lowered;
	s5 =	simm.s32 $_tile_overlayer_lowered  }
0x9b: {  	s22 =	simm.s32 $0x1BFF;
	s21 =	sshll.u32 s5, $0x1;
	s2 =	sadd.s32 s19, s18  }
0x9c: {  	s6 =	simm.s32 $0x0;
	s20 =	sshll.u32 s4, $0x1;
	s4 =	sadd.s32 s21, s2  }
0x9d: {  	[timem:s6], [sflag:s22] =	dma.local [hbm:s4], s20  }
0x9e: {  	_ =	swait.ge [sflag:s22], s20  }
0x9f: {  	s3 =	ssub.s32 $0x0, s20;
	[sflag:s22] =	ssyncset.done $0x0  }
0xa0: {  	[sflag:s22] =	ssyncadd.s32 s3;
	_ =	sdelay $0x1  }
0xa1: {  	s23 =	simm.s32 $0x1B8B  }
0xa2: {  	_ =	swait.ge [sflag:s23], $0x1  }
0xa3: {  	[sflag:s23] =	ssyncset.done $0x0  }
0xa4: {  	s25 =	simm.s32 $0x1B8E;
	s24 =	sld [smem:$0x3FFE];
	[sflag:s23] =	ssyncadd.s32 $0xFFFFFFFF  }
0xa5: {  	s26 =	simm.s32 $execute0_lowered;
	[smem:$0x3FD2] =	sst s25  }
0xa6: {  	s4 =	sshll.u32 s26, $0x1;
	_ =	strace $0x80000046;
	[dreg:$0x1] =	wrdreg $0xFFFFFFFF  }
0xa7: {  	s28 =	simm.s32 $_size_execute0_lowered;
	s2 =	sadd.s32 s2, s4;
	[dreg:$0x0] =	wrdreg $0x0  }
0xa8: {  	s4 =	sshll.u32 s28, $0x1;
	[dreg:$0x2] =	wrdreg s2  }
0xa9: {  	[dreg:$0x3] =	wrdreg s4  }
0xaa: {  	[dreg:$0x4] =	wrdreg $0xC0  }
0xab: {  	_ =	task [dreg:s6], $0x5FFFF  }
0xac: {  	[dreg:$0x1] =	wrdreg $0xFFFFFFFF  }
0xad: {  	[dreg:$0x0] =	wrdreg $0x60  }
0xae: {  	[dreg:$0x2] =	wrdreg s24  }
0xaf: {  	[dreg:$0x3] =	wrdreg $0x9  }
0xb0: {  	_ =	task.clear_ibuf [dreg:s6], $0x4FFFF;
	_ =	strace $0x90000046  }
0xb1: {  	s29 =	simm.s32 $0x9;
	_ =	strace $0x80000048  }
0xb2: {  	_ =	swait.ge [sflag:s29], $0x1  }
0xb3: {  	[sflag:s29] =	ssyncadd.s32 $0xFFFFFFFF  }
0xb4: {  	_ =	strace $0x90000048  }
0xb5: {  	_ =	sfence  }
0xb6: {  	s30 =	sld [smem:$0x0];
	_ =	sdelay $0x2  }
0xb7: {  	s31 =	sshll.u32 s1, $0xD;
	s1 =	sshrl.u32 s1, $0x2  }
0xb8: {  	s3 =	sand.u32 $0x4000, s31;
	s1 =	sadd.s32 s1, s30  }
0xb9: {  	s0 =	sor.u32 s3, s0;
	s1 =	sshll.u32 s1, $0x11  }
0xba: {  	s0 =	sor.u32 s1, s0  }
0xbb: {  	s0 =	sadd.s32 $0x8F2B, s0  }
0xbc: {  	[sflag:s0] =	ssyncadd.remote.s32 $0x1  }
0xbd: {  	_ =	sfence.sel $0xFFFF  }
0xbe: {  	[dreg:$0x0] =	wrdreg $0xFFFFFFFF;
	(pc) =	sbr.abs _section_cstart, $3  }
0xbf: {  	[dreg:$0x1] =	wrdreg $0xFFFFFFFF  }
0xc0: {  	_ =	task.clear_ibuf [dreg:s6], $0x2FFFF;
	_ =	strace $0x9FFFFFFF  }
0xc1: {  	(tm) =	ssettm $0x7FFFFFFF  }
tec
execute0_lowered:
.L_overlay_start_1:
0x0: {  	(tag) =	ssettag $0x1  }
0x1: {  	s1 =	srdreg.scid;
	s0 =	stileid.u32  }
0x2: {  	s4 =	rddreg [dreg:$0x0];
	s3 =	sand.u32 $0x1, s1;
	s30 =	sshll.u32 s0, $0x1  }
0x3: {  	s2 =	simm.s32 $0x0;
	s8 =	simm.s32 $0x0;
	s5 =	sor.u32 s3, s30  }
0x4: {  	s1 =	rddreg [dreg:$0x1];
	s3 =	ssub.s32 $0x2, s3;
	s6 =	smul.u32 $0x500, s5  }
0x5: {  	[smem:$0x7FF] =	sst s2;
	s5 =	smul.u32 $0x2800, s5;
	s7 =	sshrl.u32 s3, $0x1  }
0x6: {  	_ =	strace $0x80000047;
	s31 =	ssub.s32 s3, s7;
	s7 =	simm.s32 $0x2800  }
0x7: {  	s6 =	sadd.s32 s6, s4;
	s4 =	sadd.s32 s5, s4;
	s5 =	smax.u32 s31, $0x1  }
0x8: {  	v0 =	vimm.f32 $0.0e+00;
	v1 =	vimm.f32 $1.000000000e+00;
	s3 =	sadd.s32 $0x3000, s6;
	s4 =	sadd.s32 $0xD000, s4;
	s6 =	simm.s32 $0x1  }
.LBB2_1:
0x9: {  	[tilespmem:s2], [sflag:$0x1] =	stream.linear.gather [hbm4b:s3+s2], $0x2780, $0x38;
	[tilespmem:$0x16800] =	vst v63  }
0xa: {  	_ =	swait.ge [sflag:s6], $0x2780  }
0xb: {  	[sflag:s6] =	ssyncset.done $0x0  }
0xc: {  	s9 =	simm.s32 $0x0;
	[sflag:s6] =	ssyncadd.s32 $0xFFFFD880  }
.LBB2_2:
0xd: {  	p0 =	sne.s32 s9, $0x4FE00  }
.Ltmp0:
0xe: {  	_ = 	snop;
	(pc) =	sbr.rel @p0 .LBB2_2-.Ltmp0, $3  }
0xf: {  	_ =	sdelay $0x1  }
0x10: {  	s10 =	sshra.s32 s9, $0x2  }
0x11: {  	s9 =	sadd.s32 $0x200, s9;
	[tilespmem:s10+$0x2800] =	vst v0  }
0x12: {  	s9 =	simm.s32 $0x1C0  }
.LBB2_4:
0x13: {  	s10 =	sshra.s32 s9, $0x2  }
0x14: {  	v2 =	vld [tilespmem:s10+$0xFFFFFF90];
	_ =	sdelay $0x4  }
0x15: {  	v3 =	vshll.u32 v2, $0x3  }
0x16: {  	v2 =	vand.u32 $0xF, v2;
	v3 =	vand.u32 $0xFFFFFF80, v3  }
0x17: {  	v2 =	vor.u32 v2, v3;
	_ =	sdelay $0x4  }
0x18: {  	[tilespmem:v2+s7+$0x0] =	vst.idx.add.f32.msk $0xffff, v1  }
0x19: {  	v2 =	vld [tilespmem:s10+$0xFFFFFFA0];
	_ =	sdelay $0x4  }
0x1a: {  	v3 =	vshll.u32 v2, $0x3  }
0x1b: {  	v2 =	vand.u32 $0xF, v2;
	v3 =	vand.u32 $0xFFFFFF80, v3  }
0x1c: {  	v2 =	vor.u32 v2, v3;
	_ =	sdelay $0x4  }
0x1d: {  	[tilespmem:v2+s7+$0x0] =	vst.idx.add.f32.msk $0xffff, v1  }
0x1e: {  	v2 =	vld [tilespmem:s10+$0xFFFFFFB0];
	_ =	sdelay $0x4  }
0x1f: {  	v3 =	vshll.u32 v2, $0x3  }
0x20: {  	v2 =	vand.u32 $0xF, v2;
	v3 =	vand.u32 $0xFFFFFF80, v3  }
0x21: {  	v2 =	vor.u32 v2, v3;
	_ =	sdelay $0x4  }
0x22: {  	[tilespmem:v2+s7+$0x0] =	vst.idx.add.f32.msk $0xffff, v1  }
0x23: {  	v2 =	vld [tilespmem:s10+$0xFFFFFFC0];
	_ =	sdelay $0x4  }
0x24: {  	v3 =	vshll.u32 v2, $0x3  }
0x25: {  	v2 =	vand.u32 $0xF, v2;
	v3 =	vand.u32 $0xFFFFFF80, v3  }
0x26: {  	v2 =	vor.u32 v2, v3;
	_ =	sdelay $0x4  }
0x27: {  	[tilespmem:v2+s7+$0x0] =	vst.idx.add.f32.msk $0xffff, v1  }
0x28: {  	v2 =	vld [tilespmem:s10+$0xFFFFFFD0];
	_ =	sdelay $0x4  }
0x29: {  	v3 =	vshll.u32 v2, $0x3  }
0x2a: {  	v2 =	vand.u32 $0xF, v2;
	v3 =	vand.u32 $0xFFFFFF80, v3  }
0x2b: {  	v2 =	vor.u32 v2, v3;
	_ =	sdelay $0x4  }
0x2c: {  	[tilespmem:v2+s7+$0x0] =	vst.idx.add.f32.msk $0xffff, v1  }
0x2d: {  	v2 =	vld [tilespmem:s10+$0xFFFFFFE0];
	_ =	sdelay $0x4  }
0x2e: {  	v3 =	vshll.u32 v2, $0x3  }
0x2f: {  	v2 =	vand.u32 $0xF, v2;
	v3 =	vand.u32 $0xFFFFFF80, v3  }
0x30: {  	v2 =	vor.u32 v2, v3;
	_ =	sdelay $0x4  }
0x31: {  	[tilespmem:v2+s7+$0x0] =	vst.idx.add.f32.msk $0xffff, v1  }
0x32: {  	v2 =	vld [tilespmem:s10+$0xFFFFFFF0];
	_ =	sdelay $0x4  }
0x33: {  	v3 =	vshll.u32 v2, $0x3  }
0x34: {  	v2 =	vand.u32 $0xF, v2;
	v3 =	vand.u32 $0xFFFFFF80, v3  }
0x35: {  	v2 =	vor.u32 v2, v3;
	_ =	sdelay $0x4  }
0x36: {  	[tilespmem:v2+s7+$0x0] =	vst.idx.add.f32.msk $0xffff, v1  }
0x37: {  	v2 =	vld [tilespmem:s10+$0x0];
	_ =	sdelay $0x4  }
0x38: {  	v3 =	vshll.u32 v2, $0x3  }
0x39: {  	v2 =	vand.u32 $0xF, v2;
	v3 =	vand.u32 $0xFFFFFF80, v3  }
0x3a: {  	p0 =	sne.s32 s9, $0x9DC0;
	v2 =	vor.u32 v2, v3  }
.Ltmp1:
0x3b: {  	_ = 	snop;
	(pc) =	sbr.rel @p0 .LBB2_4-.Ltmp1, $2  }
0x3c: {  	_ =	sdelay $0x2  }
0x3d: {  	s9 =	sadd.s32 $0x200, s9;
	[tilespmem:v2+s7+$0x0] =	vst.idx.add.f32.msk $0xffff, v1  }
0x3e: {  	s8 =	sadd.s32 $0x1, s8  }
0x3f: {  	p0 =	sne.s32 s8, s5  }
.Ltmp2:
0x40: {  	_ = 	snop;
	(pc) =	sbr.rel @p0 .LBB2_1-.Ltmp2, $4  }
0x41: {  	[hbm4b:s4+s2] =	stream.linear.scatter [tilespmem:s7], [sflag:$0x1], $0x14000, $0x38;
	[tilespmem:$0x16800] =	vst v63  }
0x42: {  	_ =	swait.ge [sflag:s6], $0x14000  }
0x43: {  	[sflag:s6] =	ssyncset.done $0x0  }
0x44: {  	[sflag:s6] =	ssyncadd.s32 $0xFFFEC000  }
0x45: {  	_ =	sfence.sel $0x180000  }
0x46: {  	[bflag:$0x0] =	sbarrier.arrive $0xFFFF  }
0x47: {  	p0 =	sne.s32 s0, $0x0;
	_ =	strace $0x90000047  }
0x48: {  	s0 =	sadd.s32 @!p0 $0x100000, s1;
	[bflag:$0x2] =	sbarrier.arrive $0xFFFF  }
0x49: {  	[sflag:s0] =	ssyncadd.tile.s32 @!p0 $0x1;
	_ =	shalt  }
.Lfunc_end2:
_tile_overlayer_lowered:
.L_overlay_start_2:
0x4a: {  	(tag) =	ssettag $0x2  }
0x4b: {  	s0 =	rddreg [dreg:$0x0];
	s2 =	stileid.u32  }
0x4c: {  	s1 =	rddreg [dreg:$0x1];
	p0 =	sne.s32 s2, $0x0  }
0x4d: {  	s3 =	rddreg [dreg:$0x2];
	[bflag:$0x3] =	sbarrier.arrive $0xFFFF;
	s2 =	simm.s32 @!p0 $0x1C01  }
0x4e: {  	[timem:s3], [sflag:s2] =	dma.local @!p0 [hbm:s0], s1  }
0x4f: {  	s0 =	simm.s32 @!p0 $0x1  }
0x50: {  	_ =	swait.ge @!p0 [sflag:s0], s1  }
0x51: {  	s1 =	ssub.s32 @!p0 $0x0, s1;
	[sflag:s0] =	ssyncset.done @!p0 $0x0  }
0x52: {  	[sflag:s0] =	ssyncadd.s32 @!p0 s1  }
0x53: {  	[bflag:$0x3] =	sbarrier.arrive $0xFFFF  }
0x54: {  	_ =	shalt  }

</sc_bundles>
